<compile_context>
chip_gen: v7x
topology: tpu7x:2x2x1
jax: 0.10.2.dev20260603
libtpu: 0.0.44.dev20260713+nightly
codegen_flags: <defaults>
</compile_context>

<pallas_src>
import jax
import jax.numpy as jnp
from jax import lax
from jax.experimental import pallas as pl
from jax.experimental.pallas import tpu as pltpu
from jax.experimental.pallas import tpu_sc as plsc

NUM_EMBEDDINGS = 100000
EMBEDDING_DIM = 128

NC = 2
NS = 16
NW = NC * NS

SEQ = 4096
TOK = 50
S_PER_W = SEQ // NW
N_CHUNKS = TOK
NBUF = 7


def _gather_body(xt_hbm, w_hbm, out_hbm, idx_v, *bufs_and_sems):
    rows = bufs_and_sems[:NBUF]
    gsem = bufs_and_sems[NBUF:2 * NBUF]
    wsem = bufs_and_sems[2 * NBUF:3 * NBUF]
    wid = lax.axis_index("s") * NC + lax.axis_index("c")
    s0 = wid * S_PER_W
    pltpu.sync_copy(xt_hbm.at[:, pl.ds(s0, S_PER_W)], idx_v)

    def fire_gather(t, b):
        pltpu.async_copy(w_hbm.at[idx_v.at[t]], rows[b], gsem[b])

    def wait_gather(t, b):
        pltpu.make_async_copy(w_hbm.at[idx_v.at[t]], rows[b], gsem[b]).wait()

    def fire_writeback(t, b):
        pltpu.async_copy(rows[b], out_hbm.at[t].at[pl.ds(s0, S_PER_W)], wsem[b])

    def wait_writeback(t, b):
        pltpu.make_async_copy(
            rows[b], out_hbm.at[t].at[pl.ds(s0, S_PER_W)], wsem[b]
        ).wait()

    for b in range(NBUF):
        fire_gather(b, b)

    def body(i, carry):
        t0 = i * NBUF
        for b in range(NBUF):
            wait_gather(t0 + b, b)
            fire_writeback(t0 + b, b)
        for b in range(NBUF):
            tn = t0 + b + NBUF

            @pl.when(tn < N_CHUNKS)
            def _():
                wait_writeback(tn - NBUF, b)
                fire_gather(tn, b)

        return carry

    n_loop = (N_CHUNKS // NBUF) * NBUF
    lax.fori_loop(0, N_CHUNKS // NBUF, body, 0)

    for t in range(n_loop, N_CHUNKS):
        b = t % NBUF
        wait_gather(t, b)
        fire_writeback(t, b)

    for t in range(N_CHUNKS - NBUF, N_CHUNKS):
        wait_writeback(t, t % NBUF)


@jax.jit
def _gather(xt, weight):
    grid_kernel = pl.kernel(
        _gather_body,
        out_type=jax.ShapeDtypeStruct((TOK, SEQ, EMBEDDING_DIM), jnp.float32),
        mesh=plsc.VectorSubcoreMesh(core_axis_name="c", subcore_axis_name="s"),
        scratch_types=(
            [pltpu.VMEM((TOK, S_PER_W), jnp.int32)]
            + [pltpu.VMEM((S_PER_W, EMBEDDING_DIM), jnp.float32) for _ in range(NBUF)]
            + [pltpu.SemaphoreType.DMA for _ in range(2 * NBUF)]
        ),
    )
    return grid_kernel(xt, weight)


def kernel(x, weight):
    xt = x.astype(jnp.int32).T
    out_t = _gather(xt, weight)
    return out_t.transpose(1, 0, 2)

# --- scband reference (transcript-rebuilt; emitter-appended) ---
"""Pipeline reference for scband-parallel-embedding-1855425872525 (READ-ONLY COPY).

The authoritative reference and input builder live on the scoring server;
editing this copy changes nothing except your own understanding.
"""

import jax, jax.numpy as jnp
import numpy as np

NUM_EMBEDDINGS = 100000
EMBEDDING_DIM = 128
# single-process run: tp_size=1 -> vocab_start_idx=0, vocab_end_idx=NUM_EMBEDDINGS
VOCAB_START = 0
VOCAB_END = NUM_EMBEDDINGS
NUM_PER_PARTITION = VOCAB_END - VOCAB_START


def setup_inputs(seed: int = 0) -> dict:
    key = jax.random.key(seed)
    k_idx, k_tab = jax.random.split(key)
    x = jax.random.randint(k_idx, (4096, 50), 0, NUM_EMBEDDINGS, dtype=jnp.int64 if jax.config.jax_enable_x64 else jnp.int32)
    weight = jax.random.normal(k_tab, (NUM_PER_PARTITION, EMBEDDING_DIM), dtype=jnp.float32)
    return {"x": x, "weight": weight}


def reference(x, weight):
    # mask indices belonging to this partition
    mask = (x >= VOCAB_START) & (x < VOCAB_END)
    local_x = x - VOCAB_START
    local_x = jnp.clip(local_x, 0, NUM_PER_PARTITION - 1)
    # embedding lookup (gather)
    output = jnp.take(weight, local_x, axis=0)
    # zero out indices outside this partition
    output = output * mask[..., None].astype(jnp.float32)
    # all_reduce across TP group is identity with tp_size == 1
    return output

if __name__ == "__main__":
    import jax
    _d = setup_inputs()
    print(jax.jit(kernel)(*tuple(_d.values())))

</pallas_src>

<mosaic_0001>
#map = affine_map<(d0, d1) -> (0, 0)>
#map1 = affine_map<(d0, d1) -> (0, 0, 0)>
module attributes {stable_mosaic.version = 14 : i64} {
  func.func @_gather_body(%arg0: i32, %arg1: i32, %arg2: memref<50x4096xi32, #tpu.memory_space<hbm>>, %arg3: memref<100000x128xf32, #tpu.memory_space<hbm>>, %arg4: memref<50x4096x128xf32, #tpu.memory_space<hbm>>, %arg5: memref<50x128xi32, #tpu.memory_space<vmem>>, %arg6: memref<128x128xf32, #tpu.memory_space<vmem>>, %arg7: memref<128x128xf32, #tpu.memory_space<vmem>>, %arg8: memref<128x128xf32, #tpu.memory_space<vmem>>, %arg9: memref<128x128xf32, #tpu.memory_space<vmem>>, %arg10: memref<128x128xf32, #tpu.memory_space<vmem>>, %arg11: memref<128x128xf32, #tpu.memory_space<vmem>>, %arg12: memref<128x128xf32, #tpu.memory_space<vmem>>, %arg13: memref<!tpu.dma_semaphore, #tpu.memory_space<semaphore_mem>>, %arg14: memref<!tpu.dma_semaphore, #tpu.memory_space<semaphore_mem>>, %arg15: memref<!tpu.dma_semaphore, #tpu.memory_space<semaphore_mem>>, %arg16: memref<!tpu.dma_semaphore, #tpu.memory_space<semaphore_mem>>, %arg17: memref<!tpu.dma_semaphore, #tpu.memory_space<semaphore_mem>>, %arg18: memref<!tpu.dma_semaphore, #tpu.memory_space<semaphore_mem>>, %arg19: memref<!tpu.dma_semaphore, #tpu.memory_space<semaphore_mem>>, %arg20: memref<!tpu.dma_semaphore, #tpu.memory_space<semaphore_mem>>, %arg21: memref<!tpu.dma_semaphore, #tpu.memory_space<semaphore_mem>>, %arg22: memref<!tpu.dma_semaphore, #tpu.memory_space<semaphore_mem>>, %arg23: memref<!tpu.dma_semaphore, #tpu.memory_space<semaphore_mem>>, %arg24: memref<!tpu.dma_semaphore, #tpu.memory_space<semaphore_mem>>, %arg25: memref<!tpu.dma_semaphore, #tpu.memory_space<semaphore_mem>>, %arg26: memref<!tpu.dma_semaphore, #tpu.memory_space<semaphore_mem>>) attributes {dimension_semantics = [#tpu.dimension_semantics<core_parallel>, #tpu.dimension_semantics<subcore_parallel>], iteration_bounds = array<i64: 2, 16>, scalar_prefetch = 0 : i64, scratch_operands = 22 : i64, tpu.core_type = #tpu.core_type<sc_vector_subcore>, window_params = [{transform_indices = #map}, {transform_indices = #map}, {transform_indices = #map1}]} {
    %mul3A = arith.constant 2 : i32
    %mul3A_0 = arith.muli %arg1, %mul3A : i32
    %add3A = arith.addi %mul3A_0, %arg0 : i32
    %mul3A_1 = arith.constant 128 : i32
    %mul3A_2 = arith.muli %add3A, %mul3A_1 : i32
    "tpu.region"() ({
      %run_scoped3A = tpu.sem_alloc : memref<!tpu.dma_semaphore, #tpu.memory_space<semaphore_mem>>
      %dma_start3A_166 = arith.constant 0 : i32
      %dma_start3A_167 = tpu.memref_slice %arg2[%dma_start3A_166, %mul3A_2] : memref<50x4096xi32, #tpu.memory_space<hbm>> -> memref<50x128xi32, #tpu.memory_space<hbm>>
      %dma_start3A_168 = arith.constant 0 : i32
      %dma_start3A_169 = tpu.memref_slice %arg2[%dma_start3A_168, %mul3A_2] : memref<50x4096xi32, #tpu.memory_space<hbm>> -> memref<50x128xi32, #tpu.memory_space<hbm>>
      tpu.enqueue_dma source(%dma_start3A_169 : memref<50x128xi32, #tpu.memory_space<hbm>>) target(%arg5 : memref<50x128xi32, #tpu.memory_space<vmem>>) target_semaphore(%run_scoped3A : memref<!tpu.dma_semaphore, #tpu.memory_space<semaphore_mem>>)
      %dma_wait3A_170 = arith.constant 0 : i32
      %dma_wait3A_171 = tpu.memref_slice %arg2[%dma_wait3A_170, %mul3A_2] : memref<50x4096xi32, #tpu.memory_space<hbm>> -> memref<50x128xi32, #tpu.memory_space<hbm>>
      %dma_wait3A_172 = arith.constant 0 : i32
      %dma_wait3A_173 = tpu.memref_slice %arg2[%dma_wait3A_172, %mul3A_2] : memref<50x4096xi32, #tpu.memory_space<hbm>> -> memref<50x128xi32, #tpu.memory_space<hbm>>
      tpu.wait_dma2 semaphore(%run_scoped3A : memref<!tpu.dma_semaphore, #tpu.memory_space<semaphore_mem>>) src(%dma_wait3A_173 : memref<50x128xi32, #tpu.memory_space<hbm>>) dst(%arg5 : memref<50x128xi32, #tpu.memory_space<vmem>>)
      tpu.yield
    }) : () -> ()
    %dma_start3A = arith.constant 0 : i32
    %dma_start3A_3 = arith.constant 0 : i32
    %dma_start3A_4 = tpu.memref_slice %arg5[%dma_start3A, %dma_start3A_3] : memref<50x128xi32, #tpu.memory_space<vmem>> -> memref<1x128xi32, #tpu.memory_space<vmem>>
    %dma_start3A_5 = tpu.memref_squeeze %dma_start3A_4 : memref<1x128xi32, #tpu.memory_space<vmem>> -> memref<128xi32, #tpu.memory_space<vmem>>
    %dma_start3A_6 = arith.constant 0 : i32
    %dma_start3A_7 = arith.constant 0 : i32
    %dma_start3A_8 = tpu.memref_slice %arg3[%dma_start3A_6, %dma_start3A_7] : memref<100000x128xf32, #tpu.memory_space<hbm>> -> memref<100000x128xf32, #tpu.memory_space<hbm>>
    tpu.enqueue_indirect_dma source(%dma_start3A_8 : memref<100000x128xf32, #tpu.memory_space<hbm>>) target(%arg6 : memref<128x128xf32, #tpu.memory_space<vmem>>) offsets(%dma_start3A_5 : memref<128xi32, #tpu.memory_space<vmem>>) semaphore(%arg13 : memref<!tpu.dma_semaphore, #tpu.memory_space<semaphore_mem>>)
    %dma_start3A_9 = arith.constant 1 : i32
    %dma_start3A_10 = arith.constant 0 : i32
    %dma_start3A_11 = tpu.memref_slice %arg5[%dma_start3A_9, %dma_start3A_10] : memref<50x128xi32, #tpu.memory_space<vmem>> -> memref<1x128xi32, #tpu.memory_space<vmem>>
    %dma_start3A_12 = tpu.memref_squeeze %dma_start3A_11 : memref<1x128xi32, #tpu.memory_space<vmem>> -> memref<128xi32, #tpu.memory_space<vmem>>
    %dma_start3A_13 = arith.constant 0 : i32
    %dma_start3A_14 = arith.constant 0 : i32
    %dma_start3A_15 = tpu.memref_slice %arg3[%dma_start3A_13, %dma_start3A_14] : memref<100000x128xf32, #tpu.memory_space<hbm>> -> memref<100000x128xf32, #tpu.memory_space<hbm>>
    tpu.enqueue_indirect_dma source(%dma_start3A_15 : memref<100000x128xf32, #tpu.memory_space<hbm>>) target(%arg7 : memref<128x128xf32, #tpu.memory_space<vmem>>) offsets(%dma_start3A_12 : memref<128xi32, #tpu.memory_space<vmem>>) semaphore(%arg14 : memref<!tpu.dma_semaphore, #tpu.memory_space<semaphore_mem>>)
    %dma_start3A_16 = arith.constant 2 : i32
    %dma_start3A_17 = arith.constant 0 : i32
    %dma_start3A_18 = tpu.memref_slice %arg5[%dma_start3A_16, %dma_start3A_17] : memref<50x128xi32, #tpu.memory_space<vmem>> -> memref<1x128xi32, #tpu.memory_space<vmem>>
    %dma_start3A_19 = tpu.memref_squeeze %dma_start3A_18 : memref<1x128xi32, #tpu.memory_space<vmem>> -> memref<128xi32, #tpu.memory_space<vmem>>
    %dma_start3A_20 = arith.constant 0 : i32
    %dma_start3A_21 = arith.constant 0 : i32
    %dma_start3A_22 = tpu.memref_slice %arg3[%dma_start3A_20, %dma_start3A_21] : memref<100000x128xf32, #tpu.memory_space<hbm>> -> memref<100000x128xf32, #tpu.memory_space<hbm>>
    tpu.enqueue_indirect_dma source(%dma_start3A_22 : memref<100000x128xf32, #tpu.memory_space<hbm>>) target(%arg8 : memref<128x128xf32, #tpu.memory_space<vmem>>) offsets(%dma_start3A_19 : memref<128xi32, #tpu.memory_space<vmem>>) semaphore(%arg15 : memref<!tpu.dma_semaphore, #tpu.memory_space<semaphore_mem>>)
    %dma_start3A_23 = arith.constant 3 : i32
    %dma_start3A_24 = arith.constant 0 : i32
    %dma_start3A_25 = tpu.memref_slice %arg5[%dma_start3A_23, %dma_start3A_24] : memref<50x128xi32, #tpu.memory_space<vmem>> -> memref<1x128xi32, #tpu.memory_space<vmem>>
    %dma_start3A_26 = tpu.memref_squeeze %dma_start3A_25 : memref<1x128xi32, #tpu.memory_space<vmem>> -> memref<128xi32, #tpu.memory_space<vmem>>
    %dma_start3A_27 = arith.constant 0 : i32
    %dma_start3A_28 = arith.constant 0 : i32
    %dma_start3A_29 = tpu.memref_slice %arg3[%dma_start3A_27, %dma_start3A_28] : memref<100000x128xf32, #tpu.memory_space<hbm>> -> memref<100000x128xf32, #tpu.memory_space<hbm>>
    tpu.enqueue_indirect_dma source(%dma_start3A_29 : memref<100000x128xf32, #tpu.memory_space<hbm>>) target(%arg9 : memref<128x128xf32, #tpu.memory_space<vmem>>) offsets(%dma_start3A_26 : memref<128xi32, #tpu.memory_space<vmem>>) semaphore(%arg16 : memref<!tpu.dma_semaphore, #tpu.memory_space<semaphore_mem>>)
    %dma_start3A_30 = arith.constant 4 : i32
    %dma_start3A_31 = arith.constant 0 : i32
    %dma_start3A_32 = tpu.memref_slice %arg5[%dma_start3A_30, %dma_start3A_31] : memref<50x128xi32, #tpu.memory_space<vmem>> -> memref<1x128xi32, #tpu.memory_space<vmem>>
    %dma_start3A_33 = tpu.memref_squeeze %dma_start3A_32 : memref<1x128xi32, #tpu.memory_space<vmem>> -> memref<128xi32, #tpu.memory_space<vmem>>
    %dma_start3A_34 = arith.constant 0 : i32
    %dma_start3A_35 = arith.constant 0 : i32
    %dma_start3A_36 = tpu.memref_slice %arg3[%dma_start3A_34, %dma_start3A_35] : memref<100000x128xf32, #tpu.memory_space<hbm>> -> memref<100000x128xf32, #tpu.memory_space<hbm>>
    tpu.enqueue_indirect_dma source(%dma_start3A_36 : memref<100000x128xf32, #tpu.memory_space<hbm>>) target(%arg10 : memref<128x128xf32, #tpu.memory_space<vmem>>) offsets(%dma_start3A_33 : memref<128xi32, #tpu.memory_space<vmem>>) semaphore(%arg17 : memref<!tpu.dma_semaphore, #tpu.memory_space<semaphore_mem>>)
    %dma_start3A_37 = arith.constant 5 : i32
    %dma_start3A_38 = arith.constant 0 : i32
    %dma_start3A_39 = tpu.memref_slice %arg5[%dma_start3A_37, %dma_start3A_38] : memref<50x128xi32, #tpu.memory_space<vmem>> -> memref<1x128xi32, #tpu.memory_space<vmem>>
    %dma_start3A_40 = tpu.memref_squeeze %dma_start3A_39 : memref<1x128xi32, #tpu.memory_space<vmem>> -> memref<128xi32, #tpu.memory_space<vmem>>
    %dma_start3A_41 = arith.constant 0 : i32
    %dma_start3A_42 = arith.constant 0 : i32
    %dma_start3A_43 = tpu.memref_slice %arg3[%dma_start3A_41, %dma_start3A_42] : memref<100000x128xf32, #tpu.memory_space<hbm>> -> memref<100000x128xf32, #tpu.memory_space<hbm>>
    tpu.enqueue_indirect_dma source(%dma_start3A_43 : memref<100000x128xf32, #tpu.memory_space<hbm>>) target(%arg11 : memref<128x128xf32, #tpu.memory_space<vmem>>) offsets(%dma_start3A_40 : memref<128xi32, #tpu.memory_space<vmem>>) semaphore(%arg18 : memref<!tpu.dma_semaphore, #tpu.memory_space<semaphore_mem>>)
    %dma_start3A_44 = arith.constant 6 : i32
    %dma_start3A_45 = arith.constant 0 : i32
    %dma_start3A_46 = tpu.memref_slice %arg5[%dma_start3A_44, %dma_start3A_45] : memref<50x128xi32, #tpu.memory_space<vmem>> -> memref<1x128xi32, #tpu.memory_space<vmem>>
    %dma_start3A_47 = tpu.memref_squeeze %dma_start3A_46 : memref<1x128xi32, #tpu.memory_space<vmem>> -> memref<128xi32, #tpu.memory_space<vmem>>
    %dma_start3A_48 = arith.constant 0 : i32
    %dma_start3A_49 = arith.constant 0 : i32
    %dma_start3A_50 = tpu.memref_slice %arg3[%dma_start3A_48, %dma_start3A_49] : memref<100000x128xf32, #tpu.memory_space<hbm>> -> memref<100000x128xf32, #tpu.memory_space<hbm>>
    tpu.enqueue_indirect_dma source(%dma_start3A_50 : memref<100000x128xf32, #tpu.memory_space<hbm>>) target(%arg12 : memref<128x128xf32, #tpu.memory_space<vmem>>) offsets(%dma_start3A_47 : memref<128xi32, #tpu.memory_space<vmem>>) semaphore(%arg19 : memref<!tpu.dma_semaphore, #tpu.memory_space<semaphore_mem>>)
    %scan3A = arith.constant 0 : i32
    %scan3A_51 = arith.constant 0 : i32
    %scan3A_52 = arith.constant 7 : i32
    %scan3A_53 = arith.addi %scan3A_51, %scan3A_52 : i32
    %scan3A_54 = arith.constant 1 : i32
    scf.for %scan3A_166 = %scan3A_51 to %scan3A_53 step %scan3A_54  : i32 {
      %mul3A_167 = arith.constant 7 : i32
      %mul3A_168 = arith.muli %scan3A_166, %mul3A_167 : i32
      %add3A_169 = arith.constant 0 : i32
      %add3A_170 = arith.addi %mul3A_168, %add3A_169 : i32
      %dma_wait3A_171 = arith.constant 0 : i32
      %dma_wait3A_172 = tpu.memref_slice %arg5[%add3A_170, %dma_wait3A_171] : memref<50x128xi32, #tpu.memory_space<vmem>> -> memref<1x128xi32, #tpu.memory_space<vmem>>
      %dma_wait3A_173 = tpu.memref_squeeze %dma_wait3A_172 : memref<1x128xi32, #tpu.memory_space<vmem>> -> memref<128xi32, #tpu.memory_space<vmem>>
      %dma_wait3A_174 = arith.constant 0 : i32
      %dma_wait3A_175 = arith.constant 0 : i32
      %dma_wait3A_176 = tpu.memref_slice %arg3[%dma_wait3A_174, %dma_wait3A_175] : memref<100000x128xf32, #tpu.memory_space<hbm>> -> memref<100000x128xf32, #tpu.memory_space<hbm>>
      tpu.wait_indirect_dma semaphore(%arg13 : memref<!tpu.dma_semaphore, #tpu.memory_space<semaphore_mem>>) src(%dma_wait3A_176 : memref<100000x128xf32, #tpu.memory_space<hbm>>) dst(%arg6 : memref<128x128xf32, #tpu.memory_space<vmem>>)
      %add3A_177 = arith.constant 0 : i32
      %add3A_178 = arith.addi %mul3A_168, %add3A_177 : i32
      %dma_start3A_179 = arith.constant 0 : i32
      %dma_start3A_180 = arith.constant 0 : i32
      %dma_start3A_181 = tpu.memref_slice %arg4[%add3A_178, %dma_start3A_179, %dma_start3A_180] : memref<50x4096x128xf32, #tpu.memory_space<hbm>> -> memref<1x4096x128xf32, #tpu.memory_space<hbm>>
      %dma_start3A_182 = tpu.memref_squeeze %dma_start3A_181 : memref<1x4096x128xf32, #tpu.memory_space<hbm>> -> memref<4096x128xf32, #tpu.memory_space<hbm>>
      %dma_start3A_183 = arith.constant 0 : i32
      %dma_start3A_184 = tpu.memref_slice %dma_start3A_182[%mul3A_2, %dma_start3A_183] : memref<4096x128xf32, #tpu.memory_space<hbm>> -> memref<128x128xf32, #tpu.memory_space<hbm>>
      %dma_start3A_185 = arith.constant 0 : i32
      %dma_start3A_186 = arith.constant 0 : i32
      %dma_start3A_187 = tpu.memref_slice %arg4[%add3A_178, %dma_start3A_185, %dma_start3A_186] : memref<50x4096x128xf32, #tpu.memory_space<hbm>> -> memref<1x4096x128xf32, #tpu.memory_space<hbm>>
      %dma_start3A_188 = tpu.memref_squeeze %dma_start3A_187 : memref<1x4096x128xf32, #tpu.memory_space<hbm>> -> memref<4096x128xf32, #tpu.memory_space<hbm>>
      %dma_start3A_189 = arith.constant 0 : i32
      %dma_start3A_190 = tpu.memref_slice %dma_start3A_188[%mul3A_2, %dma_start3A_189] : memref<4096x128xf32, #tpu.memory_space<hbm>> -> memref<128x128xf32, #tpu.memory_space<hbm>>
      tpu.enqueue_dma source(%arg6 : memref<128x128xf32, #tpu.memory_space<vmem>>) target(%dma_start3A_190 : memref<128x128xf32, #tpu.memory_space<hbm>>) target_semaphore(%arg20 : memref<!tpu.dma_semaphore, #tpu.memory_space<semaphore_mem>>)
      %add3A_191 = arith.constant 1 : i32
      %add3A_192 = arith.addi %mul3A_168, %add3A_191 : i32
      %dma_wait3A_193 = arith.constant 0 : i32
      %dma_wait3A_194 = tpu.memref_slice %arg5[%add3A_192, %dma_wait3A_193] : memref<50x128xi32, #tpu.memory_space<vmem>> -> memref<1x128xi32, #tpu.memory_space<vmem>>
      %dma_wait3A_195 = tpu.memref_squeeze %dma_wait3A_194 : memref<1x128xi32, #tpu.memory_space<vmem>> -> memref<128xi32, #tpu.memory_space<vmem>>
      %dma_wait3A_196 = arith.constant 0 : i32
      %dma_wait3A_197 = arith.constant 0 : i32
      %dma_wait3A_198 = tpu.memref_slice %arg3[%dma_wait3A_196, %dma_wait3A_197] : memref<100000x128xf32, #tpu.memory_space<hbm>> -> memref<100000x128xf32, #tpu.memory_space<hbm>>
      tpu.wait_indirect_dma semaphore(%arg14 : memref<!tpu.dma_semaphore, #tpu.memory_space<semaphore_mem>>) src(%dma_wait3A_198 : memref<100000x128xf32, #tpu.memory_space<hbm>>) dst(%arg7 : memref<128x128xf32, #tpu.memory_space<vmem>>)
      %add3A_199 = arith.constant 1 : i32
      %add3A_200 = arith.addi %mul3A_168, %add3A_199 : i32
      %dma_start3A_201 = arith.constant 0 : i32
      %dma_start3A_202 = arith.constant 0 : i32
      %dma_start3A_203 = tpu.memref_slice %arg4[%add3A_200, %dma_start3A_201, %dma_start3A_202] : memref<50x4096x128xf32, #tpu.memory_space<hbm>> -> memref<1x4096x128xf32, #tpu.memory_space<hbm>>
      %dma_start3A_204 = tpu.memref_squeeze %dma_start3A_203 : memref<1x4096x128xf32, #tpu.memory_space<hbm>> -> memref<4096x128xf32, #tpu.memory_space<hbm>>
      %dma_start3A_205 = arith.constant 0 : i32
      %dma_start3A_206 = tpu.memref_slice %dma_start3A_204[%mul3A_2, %dma_start3A_205] : memref<4096x128xf32, #tpu.memory_space<hbm>> -> memref<128x128xf32, #tpu.memory_space<hbm>>
      %dma_start3A_207 = arith.constant 0 : i32
      %dma_start3A_208 = arith.constant 0 : i32
      %dma_start3A_209 = tpu.memref_slice %arg4[%add3A_200, %dma_start3A_207, %dma_start3A_208] : memref<50x4096x128xf32, #tpu.memory_space<hbm>> -> memref<1x4096x128xf32, #tpu.memory_space<hbm>>
      %dma_start3A_210 = tpu.memref_squeeze %dma_start3A_209 : memref<1x4096x128xf32, #tpu.memory_space<hbm>> -> memref<4096x128xf32, #tpu.memory_space<hbm>>
      %dma_start3A_211 = arith.constant 0 : i32
      %dma_start3A_212 = tpu.memref_slice %dma_start3A_210[%mul3A_2, %dma_start3A_211] : memref<4096x128xf32, #tpu.memory_space<hbm>> -> memref<128x128xf32, #tpu.memory_space<hbm>>
      tpu.enqueue_dma source(%arg7 : memref<128x128xf32, #tpu.memory_space<vmem>>) target(%dma_start3A_212 : memref<128x128xf32, #tpu.memory_space<hbm>>) target_semaphore(%arg21 : memref<!tpu.dma_semaphore, #tpu.memory_space<semaphore_mem>>)
      %add3A_213 = arith.constant 2 : i32
      %add3A_214 = arith.addi %mul3A_168, %add3A_213 : i32
      %dma_wait3A_215 = arith.constant 0 : i32
      %dma_wait3A_216 = tpu.memref_slice %arg5[%add3A_214, %dma_wait3A_215] : memref<50x128xi32, #tpu.memory_space<vmem>> -> memref<1x128xi32, #tpu.memory_space<vmem>>
      %dma_wait3A_217 = tpu.memref_squeeze %dma_wait3A_216 : memref<1x128xi32, #tpu.memory_space<vmem>> -> memref<128xi32, #tpu.memory_space<vmem>>
      %dma_wait3A_218 = arith.constant 0 : i32
      %dma_wait3A_219 = arith.constant 0 : i32
      %dma_wait3A_220 = tpu.memref_slice %arg3[%dma_wait3A_218, %dma_wait3A_219] : memref<100000x128xf32, #tpu.memory_space<hbm>> -> memref<100000x128xf32, #tpu.memory_space<hbm>>
      tpu.wait_indirect_dma semaphore(%arg15 : memref<!tpu.dma_semaphore, #tpu.memory_space<semaphore_mem>>) src(%dma_wait3A_220 : memref<100000x128xf32, #tpu.memory_space<hbm>>) dst(%arg8 : memref<128x128xf32, #tpu.memory_space<vmem>>)
      %add3A_221 = arith.constant 2 : i32
      %add3A_222 = arith.addi %mul3A_168, %add3A_221 : i32
      %dma_start3A_223 = arith.constant 0 : i32
      %dma_start3A_224 = arith.constant 0 : i32
      %dma_start3A_225 = tpu.memref_slice %arg4[%add3A_222, %dma_start3A_223, %dma_start3A_224] : memref<50x4096x128xf32, #tpu.memory_space<hbm>> -> memref<1x4096x128xf32, #tpu.memory_space<hbm>>
      %dma_start3A_226 = tpu.memref_squeeze %dma_start3A_225 : memref<1x4096x128xf32, #tpu.memory_space<hbm>> -> memref<4096x128xf32, #tpu.memory_space<hbm>>
      %dma_start3A_227 = arith.constant 0 : i32
      %dma_start3A_228 = tpu.memref_slice %dma_start3A_226[%mul3A_2, %dma_start3A_227] : memref<4096x128xf32, #tpu.memory_space<hbm>> -> memref<128x128xf32, #tpu.memory_space<hbm>>
      %dma_start3A_229 = arith.constant 0 : i32
      %dma_start3A_230 = arith.constant 0 : i32
      %dma_start3A_231 = tpu.memref_slice %arg4[%add3A_222, %dma_start3A_229, %dma_start3A_230] : memref<50x4096x128xf32, #tpu.memory_space<hbm>> -> memref<1x4096x128xf32, #tpu.memory_space<hbm>>
      %dma_start3A_232 = tpu.memref_squeeze %dma_start3A_231 : memref<1x4096x128xf32, #tpu.memory_space<hbm>> -> memref<4096x128xf32, #tpu.memory_space<hbm>>
      %dma_start3A_233 = arith.constant 0 : i32
      %dma_start3A_234 = tpu.memref_slice %dma_start3A_232[%mul3A_2, %dma_start3A_233] : memref<4096x128xf32, #tpu.memory_space<hbm>> -> memref<128x128xf32, #tpu.memory_space<hbm>>
      tpu.enqueue_dma source(%arg8 : memref<128x128xf32, #tpu.memory_space<vmem>>) target(%dma_start3A_234 : memref<128x128xf32, #tpu.memory_space<hbm>>) target_semaphore(%arg22 : memref<!tpu.dma_semaphore, #tpu.memory_space<semaphore_mem>>)
      %add3A_235 = arith.constant 3 : i32
      %add3A_236 = arith.addi %mul3A_168, %add3A_235 : i32
      %dma_wait3A_237 = arith.constant 0 : i32
      %dma_wait3A_238 = tpu.memref_slice %arg5[%add3A_236, %dma_wait3A_237] : memref<50x128xi32, #tpu.memory_space<vmem>> -> memref<1x128xi32, #tpu.memory_space<vmem>>
      %dma_wait3A_239 = tpu.memref_squeeze %dma_wait3A_238 : memref<1x128xi32, #tpu.memory_space<vmem>> -> memref<128xi32, #tpu.memory_space<vmem>>
      %dma_wait3A_240 = arith.constant 0 : i32
      %dma_wait3A_241 = arith.constant 0 : i32
      %dma_wait3A_242 = tpu.memref_slice %arg3[%dma_wait3A_240, %dma_wait3A_241] : memref<100000x128xf32, #tpu.memory_space<hbm>> -> memref<100000x128xf32, #tpu.memory_space<hbm>>
      tpu.wait_indirect_dma semaphore(%arg16 : memref<!tpu.dma_semaphore, #tpu.memory_space<semaphore_mem>>) src(%dma_wait3A_242 : memref<100000x128xf32, #tpu.memory_space<hbm>>) dst(%arg9 : memref<128x128xf32, #tpu.memory_space<vmem>>)
      %add3A_243 = arith.constant 3 : i32
      %add3A_244 = arith.addi %mul3A_168, %add3A_243 : i32
      %dma_start3A_245 = arith.constant 0 : i32
      %dma_start3A_246 = arith.constant 0 : i32
      %dma_start3A_247 = tpu.memref_slice %arg4[%add3A_244, %dma_start3A_245, %dma_start3A_246] : memref<50x4096x128xf32, #tpu.memory_space<hbm>> -> memref<1x4096x128xf32, #tpu.memory_space<hbm>>
      %dma_start3A_248 = tpu.memref_squeeze %dma_start3A_247 : memref<1x4096x128xf32, #tpu.memory_space<hbm>> -> memref<4096x128xf32, #tpu.memory_space<hbm>>
      %dma_start3A_249 = arith.constant 0 : i32
      %dma_start3A_250 = tpu.memref_slice %dma_start3A_248[%mul3A_2, %dma_start3A_249] : memref<4096x128xf32, #tpu.memory_space<hbm>> -> memref<128x128xf32, #tpu.memory_space<hbm>>
      %dma_start3A_251 = arith.constant 0 : i32
      %dma_start3A_252 = arith.constant 0 : i32
      %dma_start3A_253 = tpu.memref_slice %arg4[%add3A_244, %dma_start3A_251, %dma_start3A_252] : memref<50x4096x128xf32, #tpu.memory_space<hbm>> -> memref<1x4096x128xf32, #tpu.memory_space<hbm>>
      %dma_start3A_254 = tpu.memref_squeeze %dma_start3A_253 : memref<1x4096x128xf32, #tpu.memory_space<hbm>> -> memref<4096x128xf32, #tpu.memory_space<hbm>>
      %dma_start3A_255 = arith.constant 0 : i32
      %dma_start3A_256 = tpu.memref_slice %dma_start3A_254[%mul3A_2, %dma_start3A_255] : memref<4096x128xf32, #tpu.memory_space<hbm>> -> memref<128x128xf32, #tpu.memory_space<hbm>>
      tpu.enqueue_dma source(%arg9 : memref<128x128xf32, #tpu.memory_space<vmem>>) target(%dma_start3A_256 : memref<128x128xf32, #tpu.memory_space<hbm>>) target_semaphore(%arg23 : memref<!tpu.dma_semaphore, #tpu.memory_space<semaphore_mem>>)
      %add3A_257 = arith.constant 4 : i32
      %add3A_258 = arith.addi %mul3A_168, %add3A_257 : i32
      %dma_wait3A_259 = arith.constant 0 : i32
      %dma_wait3A_260 = tpu.memref_slice %arg5[%add3A_258, %dma_wait3A_259] : memref<50x128xi32, #tpu.memory_space<vmem>> -> memref<1x128xi32, #tpu.memory_space<vmem>>
      %dma_wait3A_261 = tpu.memref_squeeze %dma_wait3A_260 : memref<1x128xi32, #tpu.memory_space<vmem>> -> memref<128xi32, #tpu.memory_space<vmem>>
      %dma_wait3A_262 = arith.constant 0 : i32
      %dma_wait3A_263 = arith.constant 0 : i32
      %dma_wait3A_264 = tpu.memref_slice %arg3[%dma_wait3A_262, %dma_wait3A_263] : memref<100000x128xf32, #tpu.memory_space<hbm>> -> memref<100000x128xf32, #tpu.memory_space<hbm>>
      tpu.wait_indirect_dma semaphore(%arg17 : memref<!tpu.dma_semaphore, #tpu.memory_space<semaphore_mem>>) src(%dma_wait3A_264 : memref<100000x128xf32, #tpu.memory_space<hbm>>) dst(%arg10 : memref<128x128xf32, #tpu.memory_space<vmem>>)
      %add3A_265 = arith.constant 4 : i32
      %add3A_266 = arith.addi %mul3A_168, %add3A_265 : i32
      %dma_start3A_267 = arith.constant 0 : i32
      %dma_start3A_268 = arith.constant 0 : i32
      %dma_start3A_269 = tpu.memref_slice %arg4[%add3A_266, %dma_start3A_267, %dma_start3A_268] : memref<50x4096x128xf32, #tpu.memory_space<hbm>> -> memref<1x4096x128xf32, #tpu.memory_space<hbm>>
      %dma_start3A_270 = tpu.memref_squeeze %dma_start3A_269 : memref<1x4096x128xf32, #tpu.memory_space<hbm>> -> memref<4096x128xf32, #tpu.memory_space<hbm>>
      %dma_start3A_271 = arith.constant 0 : i32
      %dma_start3A_272 = tpu.memref_slice %dma_start3A_270[%mul3A_2, %dma_start3A_271] : memref<4096x128xf32, #tpu.memory_space<hbm>> -> memref<128x128xf32, #tpu.memory_space<hbm>>
      %dma_start3A_273 = arith.constant 0 : i32
      %dma_start3A_274 = arith.constant 0 : i32
      %dma_start3A_275 = tpu.memref_slice %arg4[%add3A_266, %dma_start3A_273, %dma_start3A_274] : memref<50x4096x128xf32, #tpu.memory_space<hbm>> -> memref<1x4096x128xf32, #tpu.memory_space<hbm>>
      %dma_start3A_276 = tpu.memref_squeeze %dma_start3A_275 : memref<1x4096x128xf32, #tpu.memory_space<hbm>> -> memref<4096x128xf32, #tpu.memory_space<hbm>>
      %dma_start3A_277 = arith.constant 0 : i32
      %dma_start3A_278 = tpu.memref_slice %dma_start3A_276[%mul3A_2, %dma_start3A_277] : memref<4096x128xf32, #tpu.memory_space<hbm>> -> memref<128x128xf32, #tpu.memory_space<hbm>>
      tpu.enqueue_dma source(%arg10 : memref<128x128xf32, #tpu.memory_space<vmem>>) target(%dma_start3A_278 : memref<128x128xf32, #tpu.memory_space<hbm>>) target_semaphore(%arg24 : memref<!tpu.dma_semaphore, #tpu.memory_space<semaphore_mem>>)
      %add3A_279 = arith.constant 5 : i32
      %add3A_280 = arith.addi %mul3A_168, %add3A_279 : i32
      %dma_wait3A_281 = arith.constant 0 : i32
      %dma_wait3A_282 = tpu.memref_slice %arg5[%add3A_280, %dma_wait3A_281] : memref<50x128xi32, #tpu.memory_space<vmem>> -> memref<1x128xi32, #tpu.memory_space<vmem>>
      %dma_wait3A_283 = tpu.memref_squeeze %dma_wait3A_282 : memref<1x128xi32, #tpu.memory_space<vmem>> -> memref<128xi32, #tpu.memory_space<vmem>>
      %dma_wait3A_284 = arith.constant 0 : i32
      %dma_wait3A_285 = arith.constant 0 : i32
      %dma_wait3A_286 = tpu.memref_slice %arg3[%dma_wait3A_284, %dma_wait3A_285] : memref<100000x128xf32, #tpu.memory_space<hbm>> -> memref<100000x128xf32, #tpu.memory_space<hbm>>
      tpu.wait_indirect_dma semaphore(%arg18 : memref<!tpu.dma_semaphore, #tpu.memory_space<semaphore_mem>>) src(%dma_wait3A_286 : memref<100000x128xf32, #tpu.memory_space<hbm>>) dst(%arg11 : memref<128x128xf32, #tpu.memory_space<vmem>>)
      %add3A_287 = arith.constant 5 : i32
      %add3A_288 = arith.addi %mul3A_168, %add3A_287 : i32
      %dma_start3A_289 = arith.constant 0 : i32
      %dma_start3A_290 = arith.constant 0 : i32
      %dma_start3A_291 = tpu.memref_slice %arg4[%add3A_288, %dma_start3A_289, %dma_start3A_290] : memref<50x4096x128xf32, #tpu.memory_space<hbm>> -> memref<1x4096x128xf32, #tpu.memory_space<hbm>>
      %dma_start3A_292 = tpu.memref_squeeze %dma_start3A_291 : memref<1x4096x128xf32, #tpu.memory_space<hbm>> -> memref<4096x128xf32, #tpu.memory_space<hbm>>
      %dma_start3A_293 = arith.constant 0 : i32
      %dma_start3A_294 = tpu.memref_slice %dma_start3A_292[%mul3A_2, %dma_start3A_293] : memref<4096x128xf32, #tpu.memory_space<hbm>> -> memref<128x128xf32, #tpu.memory_space<hbm>>
      %dma_start3A_295 = arith.constant 0 : i32
      %dma_start3A_296 = arith.constant 0 : i32
      %dma_start3A_297 = tpu.memref_slice %arg4[%add3A_288, %dma_start3A_295, %dma_start3A_296] : memref<50x4096x128xf32, #tpu.memory_space<hbm>> -> memref<1x4096x128xf32, #tpu.memory_space<hbm>>
      %dma_start3A_298 = tpu.memref_squeeze %dma_start3A_297 : memref<1x4096x128xf32, #tpu.memory_space<hbm>> -> memref<4096x128xf32, #tpu.memory_space<hbm>>
      %dma_start3A_299 = arith.constant 0 : i32
      %dma_start3A_300 = tpu.memref_slice %dma_start3A_298[%mul3A_2, %dma_start3A_299] : memref<4096x128xf32, #tpu.memory_space<hbm>> -> memref<128x128xf32, #tpu.memory_space<hbm>>
      tpu.enqueue_dma source(%arg11 : memref<128x128xf32, #tpu.memory_space<vmem>>) target(%dma_start3A_300 : memref<128x128xf32, #tpu.memory_space<hbm>>) target_semaphore(%arg25 : memref<!tpu.dma_semaphore, #tpu.memory_space<semaphore_mem>>)
      %add3A_301 = arith.constant 6 : i32
      %add3A_302 = arith.addi %mul3A_168, %add3A_301 : i32
      %dma_wait3A_303 = arith.constant 0 : i32
      %dma_wait3A_304 = tpu.memref_slice %arg5[%add3A_302, %dma_wait3A_303] : memref<50x128xi32, #tpu.memory_space<vmem>> -> memref<1x128xi32, #tpu.memory_space<vmem>>
      %dma_wait3A_305 = tpu.memref_squeeze %dma_wait3A_304 : memref<1x128xi32, #tpu.memory_space<vmem>> -> memref<128xi32, #tpu.memory_space<vmem>>
      %dma_wait3A_306 = arith.constant 0 : i32
      %dma_wait3A_307 = arith.constant 0 : i32
      %dma_wait3A_308 = tpu.memref_slice %arg3[%dma_wait3A_306, %dma_wait3A_307] : memref<100000x128xf32, #tpu.memory_space<hbm>> -> memref<100000x128xf32, #tpu.memory_space<hbm>>
      tpu.wait_indirect_dma semaphore(%arg19 : memref<!tpu.dma_semaphore, #tpu.memory_space<semaphore_mem>>) src(%dma_wait3A_308 : memref<100000x128xf32, #tpu.memory_space<hbm>>) dst(%arg12 : memref<128x128xf32, #tpu.memory_space<vmem>>)
      %add3A_309 = arith.constant 6 : i32
      %add3A_310 = arith.addi %mul3A_168, %add3A_309 : i32
      %dma_start3A_311 = arith.constant 0 : i32
      %dma_start3A_312 = arith.constant 0 : i32
      %dma_start3A_313 = tpu.memref_slice %arg4[%add3A_310, %dma_start3A_311, %dma_start3A_312] : memref<50x4096x128xf32, #tpu.memory_space<hbm>> -> memref<1x4096x128xf32, #tpu.memory_space<hbm>>
      %dma_start3A_314 = tpu.memref_squeeze %dma_start3A_313 : memref<1x4096x128xf32, #tpu.memory_space<hbm>> -> memref<4096x128xf32, #tpu.memory_space<hbm>>
      %dma_start3A_315 = arith.constant 0 : i32
      %dma_start3A_316 = tpu.memref_slice %dma_start3A_314[%mul3A_2, %dma_start3A_315] : memref<4096x128xf32, #tpu.memory_space<hbm>> -> memref<128x128xf32, #tpu.memory_space<hbm>>
      %dma_start3A_317 = arith.constant 0 : i32
      %dma_start3A_318 = arith.constant 0 : i32
      %dma_start3A_319 = tpu.memref_slice %arg4[%add3A_310, %dma_start3A_317, %dma_start3A_318] : memref<50x4096x128xf32, #tpu.memory_space<hbm>> -> memref<1x4096x128xf32, #tpu.memory_space<hbm>>
      %dma_start3A_320 = tpu.memref_squeeze %dma_start3A_319 : memref<1x4096x128xf32, #tpu.memory_space<hbm>> -> memref<4096x128xf32, #tpu.memory_space<hbm>>
      %dma_start3A_321 = arith.constant 0 : i32
      %dma_start3A_322 = tpu.memref_slice %dma_start3A_320[%mul3A_2, %dma_start3A_321] : memref<4096x128xf32, #tpu.memory_space<hbm>> -> memref<128x128xf32, #tpu.memory_space<hbm>>
      tpu.enqueue_dma source(%arg12 : memref<128x128xf32, #tpu.memory_space<vmem>>) target(%dma_start3A_322 : memref<128x128xf32, #tpu.memory_space<hbm>>) target_semaphore(%arg26 : memref<!tpu.dma_semaphore, #tpu.memory_space<semaphore_mem>>)
      %add3A_323 = arith.constant 0 : i32
      %add3A_324 = arith.addi %mul3A_168, %add3A_323 : i32
      %add3A_325 = arith.constant 7 : i32
      %add3A_326 = arith.addi %add3A_324, %add3A_325 : i32
      %lt3A = arith.constant 50 : i32
      %lt3A_327 = arith.cmpi slt, %add3A_326, %lt3A : i32
      %convert_element_type3A = arith.extui %lt3A_327 : i1 to i32
      %cond3A = arith.constant 0 : i32
      %cond3A_328 = arith.cmpi ne, %convert_element_type3A, %cond3A : i32
      scf.if %cond3A_328 {
        %sub3A = arith.constant 7 : i32
        %sub3A_383 = arith.subi %add3A_326, %sub3A : i32
        %dma_wait3A_384 = arith.constant 0 : i32
        %dma_wait3A_385 = arith.constant 0 : i32
        %dma_wait3A_386 = tpu.memref_slice %arg4[%sub3A_383, %dma_wait3A_384, %dma_wait3A_385] : memref<50x4096x128xf32, #tpu.memory_space<hbm>> -> memref<1x4096x128xf32, #tpu.memory_space<hbm>>
        %dma_wait3A_387 = tpu.memref_squeeze %dma_wait3A_386 : memref<1x4096x128xf32, #tpu.memory_space<hbm>> -> memref<4096x128xf32, #tpu.memory_space<hbm>>
        %dma_wait3A_388 = arith.constant 0 : i32
        %dma_wait3A_389 = tpu.memref_slice %dma_wait3A_387[%mul3A_2, %dma_wait3A_388] : memref<4096x128xf32, #tpu.memory_space<hbm>> -> memref<128x128xf32, #tpu.memory_space<hbm>>
        %dma_wait3A_390 = arith.constant 0 : i32
        %dma_wait3A_391 = arith.constant 0 : i32
        %dma_wait3A_392 = tpu.memref_slice %arg4[%sub3A_383, %dma_wait3A_390, %dma_wait3A_391] : memref<50x4096x128xf32, #tpu.memory_space<hbm>> -> memref<1x4096x128xf32, #tpu.memory_space<hbm>>
        %dma_wait3A_393 = tpu.memref_squeeze %dma_wait3A_392 : memref<1x4096x128xf32, #tpu.memory_space<hbm>> -> memref<4096x128xf32, #tpu.memory_space<hbm>>
        %dma_wait3A_394 = arith.constant 0 : i32
        %dma_wait3A_395 = tpu.memref_slice %dma_wait3A_393[%mul3A_2, %dma_wait3A_394] : memref<4096x128xf32, #tpu.memory_space<hbm>> -> memref<128x128xf32, #tpu.memory_space<hbm>>
        tpu.wait_dma2 semaphore(%arg20 : memref<!tpu.dma_semaphore, #tpu.memory_space<semaphore_mem>>) src(%arg6 : memref<128x128xf32, #tpu.memory_space<vmem>>) dst(%dma_wait3A_395 : memref<128x128xf32, #tpu.memory_space<hbm>>)
        %dma_start3A_396 = arith.constant 0 : i32
        %dma_start3A_397 = tpu.memref_slice %arg5[%add3A_326, %dma_start3A_396] : memref<50x128xi32, #tpu.memory_space<vmem>> -> memref<1x128xi32, #tpu.memory_space<vmem>>
        %dma_start3A_398 = tpu.memref_squeeze %dma_start3A_397 : memref<1x128xi32, #tpu.memory_space<vmem>> -> memref<128xi32, #tpu.memory_space<vmem>>
        %dma_start3A_399 = arith.constant 0 : i32
        %dma_start3A_400 = arith.constant 0 : i32
        %dma_start3A_401 = tpu.memref_slice %arg3[%dma_start3A_399, %dma_start3A_400] : memref<100000x128xf32, #tpu.memory_space<hbm>> -> memref<100000x128xf32, #tpu.memory_space<hbm>>
        tpu.enqueue_indirect_dma source(%dma_start3A_401 : memref<100000x128xf32, #tpu.memory_space<hbm>>) target(%arg6 : memref<128x128xf32, #tpu.memory_space<vmem>>) offsets(%dma_start3A_398 : memref<128xi32, #tpu.memory_space<vmem>>) semaphore(%arg13 : memref<!tpu.dma_semaphore, #tpu.memory_space<semaphore_mem>>)
      } else {
      }
      %add3A_329 = arith.constant 1 : i32
      %add3A_330 = arith.addi %mul3A_168, %add3A_329 : i32
      %add3A_331 = arith.constant 7 : i32
      %add3A_332 = arith.addi %add3A_330, %add3A_331 : i32
      %lt3A_333 = arith.constant 50 : i32
      %lt3A_334 = arith.cmpi slt, %add3A_332, %lt3A_333 : i32
      %convert_element_type3A_335 = arith.extui %lt3A_334 : i1 to i32
      %cond3A_336 = arith.constant 0 : i32
      %cond3A_337 = arith.cmpi ne, %convert_element_type3A_335, %cond3A_336 : i32
      scf.if %cond3A_337 {
        %sub3A = arith.constant 7 : i32
        %sub3A_383 = arith.subi %add3A_332, %sub3A : i32
        %dma_wait3A_384 = arith.constant 0 : i32
        %dma_wait3A_385 = arith.constant 0 : i32
        %dma_wait3A_386 = tpu.memref_slice %arg4[%sub3A_383, %dma_wait3A_384, %dma_wait3A_385] : memref<50x4096x128xf32, #tpu.memory_space<hbm>> -> memref<1x4096x128xf32, #tpu.memory_space<hbm>>
        %dma_wait3A_387 = tpu.memref_squeeze %dma_wait3A_386 : memref<1x4096x128xf32, #tpu.memory_space<hbm>> -> memref<4096x128xf32, #tpu.memory_space<hbm>>
        %dma_wait3A_388 = arith.constant 0 : i32
        %dma_wait3A_389 = tpu.memref_slice %dma_wait3A_387[%mul3A_2, %dma_wait3A_388] : memref<4096x128xf32, #tpu.memory_space<hbm>> -> memref<128x128xf32, #tpu.memory_space<hbm>>
        %dma_wait3A_390 = arith.constant 0 : i32
        %dma_wait3A_391 = arith.constant 0 : i32
        %dma_wait3A_392 = tpu.memref_slice %arg4[%sub3A_383, %dma_wait3A_390, %dma_wait3A_391] : memref<50x4096x128xf32, #tpu.memory_space<hbm>> -> memref<1x4096x128xf32, #tpu.memory_space<hbm>>
        %dma_wait3A_393 = tpu.memref_squeeze %dma_wait3A_392 : memref<1x4096x128xf32, #tpu.memory_space<hbm>> -> memref<4096x128xf32, #tpu.memory_space<hbm>>
        %dma_wait3A_394 = arith.constant 0 : i32
        %dma_wait3A_395 = tpu.memref_slice %dma_wait3A_393[%mul3A_2, %dma_wait3A_394] : memref<4096x128xf32, #tpu.memory_space<hbm>> -> memref<128x128xf32, #tpu.memory_space<hbm>>
        tpu.wait_dma2 semaphore(%arg21 : memref<!tpu.dma_semaphore, #tpu.memory_space<semaphore_mem>>) src(%arg7 : memref<128x128xf32, #tpu.memory_space<vmem>>) dst(%dma_wait3A_395 : memref<128x128xf32, #tpu.memory_space<hbm>>)
        %dma_start3A_396 = arith.constant 0 : i32
        %dma_start3A_397 = tpu.memref_slice %arg5[%add3A_332, %dma_start3A_396] : memref<50x128xi32, #tpu.memory_space<vmem>> -> memref<1x128xi32, #tpu.memory_space<vmem>>
        %dma_start3A_398 = tpu.memref_squeeze %dma_start3A_397 : memref<1x128xi32, #tpu.memory_space<vmem>> -> memref<128xi32, #tpu.memory_space<vmem>>
        %dma_start3A_399 = arith.constant 0 : i32
        %dma_start3A_400 = arith.constant 0 : i32
        %dma_start3A_401 = tpu.memref_slice %arg3[%dma_start3A_399, %dma_start3A_400] : memref<100000x128xf32, #tpu.memory_space<hbm>> -> memref<100000x128xf32, #tpu.memory_space<hbm>>
        tpu.enqueue_indirect_dma source(%dma_start3A_401 : memref<100000x128xf32, #tpu.memory_space<hbm>>) target(%arg7 : memref<128x128xf32, #tpu.memory_space<vmem>>) offsets(%dma_start3A_398 : memref<128xi32, #tpu.memory_space<vmem>>) semaphore(%arg14 : memref<!tpu.dma_semaphore, #tpu.memory_space<semaphore_mem>>)
      } else {
      }
      %add3A_338 = arith.constant 2 : i32
      %add3A_339 = arith.addi %mul3A_168, %add3A_338 : i32
      %add3A_340 = arith.constant 7 : i32
      %add3A_341 = arith.addi %add3A_339, %add3A_340 : i32
      %lt3A_342 = arith.constant 50 : i32
      %lt3A_343 = arith.cmpi slt, %add3A_341, %lt3A_342 : i32
      %convert_element_type3A_344 = arith.extui %lt3A_343 : i1 to i32
      %cond3A_345 = arith.constant 0 : i32
      %cond3A_346 = arith.cmpi ne, %convert_element_type3A_344, %cond3A_345 : i32
      scf.if %cond3A_346 {
        %sub3A = arith.constant 7 : i32
        %sub3A_383 = arith.subi %add3A_341, %sub3A : i32
        %dma_wait3A_384 = arith.constant 0 : i32
        %dma_wait3A_385 = arith.constant 0 : i32
        %dma_wait3A_386 = tpu.memref_slice %arg4[%sub3A_383, %dma_wait3A_384, %dma_wait3A_385] : memref<50x4096x128xf32, #tpu.memory_space<hbm>> -> memref<1x4096x128xf32, #tpu.memory_space<hbm>>
        %dma_wait3A_387 = tpu.memref_squeeze %dma_wait3A_386 : memref<1x4096x128xf32, #tpu.memory_space<hbm>> -> memref<4096x128xf32, #tpu.memory_space<hbm>>
        %dma_wait3A_388 = arith.constant 0 : i32
        %dma_wait3A_389 = tpu.memref_slice %dma_wait3A_387[%mul3A_2, %dma_wait3A_388] : memref<4096x128xf32, #tpu.memory_space<hbm>> -> memref<128x128xf32, #tpu.memory_space<hbm>>
        %dma_wait3A_390 = arith.constant 0 : i32
        %dma_wait3A_391 = arith.constant 0 : i32
        %dma_wait3A_392 = tpu.memref_slice %arg4[%sub3A_383, %dma_wait3A_390, %dma_wait3A_391] : memref<50x4096x128xf32, #tpu.memory_space<hbm>> -> memref<1x4096x128xf32, #tpu.memory_space<hbm>>
        %dma_wait3A_393 = tpu.memref_squeeze %dma_wait3A_392 : memref<1x4096x128xf32, #tpu.memory_space<hbm>> -> memref<4096x128xf32, #tpu.memory_space<hbm>>
        %dma_wait3A_394 = arith.constant 0 : i32
        %dma_wait3A_395 = tpu.memref_slice %dma_wait3A_393[%mul3A_2, %dma_wait3A_394] : memref<4096x128xf32, #tpu.memory_space<hbm>> -> memref<128x128xf32, #tpu.memory_space<hbm>>
        tpu.wait_dma2 semaphore(%arg22 : memref<!tpu.dma_semaphore, #tpu.memory_space<semaphore_mem>>) src(%arg8 : memref<128x128xf32, #tpu.memory_space<vmem>>) dst(%dma_wait3A_395 : memref<128x128xf32, #tpu.memory_space<hbm>>)
        %dma_start3A_396 = arith.constant 0 : i32
        %dma_start3A_397 = tpu.memref_slice %arg5[%add3A_341, %dma_start3A_396] : memref<50x128xi32, #tpu.memory_space<vmem>> -> memref<1x128xi32, #tpu.memory_space<vmem>>
        %dma_start3A_398 = tpu.memref_squeeze %dma_start3A_397 : memref<1x128xi32, #tpu.memory_space<vmem>> -> memref<128xi32, #tpu.memory_space<vmem>>
        %dma_start3A_399 = arith.constant 0 : i32
        %dma_start3A_400 = arith.constant 0 : i32
        %dma_start3A_401 = tpu.memref_slice %arg3[%dma_start3A_399, %dma_start3A_400] : memref<100000x128xf32, #tpu.memory_space<hbm>> -> memref<100000x128xf32, #tpu.memory_space<hbm>>
        tpu.enqueue_indirect_dma source(%dma_start3A_401 : memref<100000x128xf32, #tpu.memory_space<hbm>>) target(%arg8 : memref<128x128xf32, #tpu.memory_space<vmem>>) offsets(%dma_start3A_398 : memref<128xi32, #tpu.memory_space<vmem>>) semaphore(%arg15 : memref<!tpu.dma_semaphore, #tpu.memory_space<semaphore_mem>>)
      } else {
      }
      %add3A_347 = arith.constant 3 : i32
      %add3A_348 = arith.addi %mul3A_168, %add3A_347 : i32
      %add3A_349 = arith.constant 7 : i32
      %add3A_350 = arith.addi %add3A_348, %add3A_349 : i32
      %lt3A_351 = arith.constant 50 : i32
      %lt3A_352 = arith.cmpi slt, %add3A_350, %lt3A_351 : i32
      %convert_element_type3A_353 = arith.extui %lt3A_352 : i1 to i32
      %cond3A_354 = arith.constant 0 : i32
      %cond3A_355 = arith.cmpi ne, %convert_element_type3A_353, %cond3A_354 : i32
      scf.if %cond3A_355 {
        %sub3A = arith.constant 7 : i32
        %sub3A_383 = arith.subi %add3A_350, %sub3A : i32
        %dma_wait3A_384 = arith.constant 0 : i32
        %dma_wait3A_385 = arith.constant 0 : i32
        %dma_wait3A_386 = tpu.memref_slice %arg4[%sub3A_383, %dma_wait3A_384, %dma_wait3A_385] : memref<50x4096x128xf32, #tpu.memory_space<hbm>> -> memref<1x4096x128xf32, #tpu.memory_space<hbm>>
        %dma_wait3A_387 = tpu.memref_squeeze %dma_wait3A_386 : memref<1x4096x128xf32, #tpu.memory_space<hbm>> -> memref<4096x128xf32, #tpu.memory_space<hbm>>
        %dma_wait3A_388 = arith.constant 0 : i32
        %dma_wait3A_389 = tpu.memref_slice %dma_wait3A_387[%mul3A_2, %dma_wait3A_388] : memref<4096x128xf32, #tpu.memory_space<hbm>> -> memref<128x128xf32, #tpu.memory_space<hbm>>
        %dma_wait3A_390 = arith.constant 0 : i32
        %dma_wait3A_391 = arith.constant 0 : i32
        %dma_wait3A_392 = tpu.memref_slice %arg4[%sub3A_383, %dma_wait3A_390, %dma_wait3A_391] : memref<50x4096x128xf32, #tpu.memory_space<hbm>> -> memref<1x4096x128xf32, #tpu.memory_space<hbm>>
        %dma_wait3A_393 = tpu.memref_squeeze %dma_wait3A_392 : memref<1x4096x128xf32, #tpu.memory_space<hbm>> -> memref<4096x128xf32, #tpu.memory_space<hbm>>
        %dma_wait3A_394 = arith.constant 0 : i32
        %dma_wait3A_395 = tpu.memref_slice %dma_wait3A_393[%mul3A_2, %dma_wait3A_394] : memref<4096x128xf32, #tpu.memory_space<hbm>> -> memref<128x128xf32, #tpu.memory_space<hbm>>
        tpu.wait_dma2 semaphore(%arg23 : memref<!tpu.dma_semaphore, #tpu.memory_space<semaphore_mem>>) src(%arg9 : memref<128x128xf32, #tpu.memory_space<vmem>>) dst(%dma_wait3A_395 : memref<128x128xf32, #tpu.memory_space<hbm>>)
        %dma_start3A_396 = arith.constant 0 : i32
        %dma_start3A_397 = tpu.memref_slice %arg5[%add3A_350, %dma_start3A_396] : memref<50x128xi32, #tpu.memory_space<vmem>> -> memref<1x128xi32, #tpu.memory_space<vmem>>
        %dma_start3A_398 = tpu.memref_squeeze %dma_start3A_397 : memref<1x128xi32, #tpu.memory_space<vmem>> -> memref<128xi32, #tpu.memory_space<vmem>>
        %dma_start3A_399 = arith.constant 0 : i32
        %dma_start3A_400 = arith.constant 0 : i32
        %dma_start3A_401 = tpu.memref_slice %arg3[%dma_start3A_399, %dma_start3A_400] : memref<100000x128xf32, #tpu.memory_space<hbm>> -> memref<100000x128xf32, #tpu.memory_space<hbm>>
        tpu.enqueue_indirect_dma source(%dma_start3A_401 : memref<100000x128xf32, #tpu.memory_space<hbm>>) target(%arg9 : memref<128x128xf32, #tpu.memory_space<vmem>>) offsets(%dma_start3A_398 : memref<128xi32, #tpu.memory_space<vmem>>) semaphore(%arg16 : memref<!tpu.dma_semaphore, #tpu.memory_space<semaphore_mem>>)
      } else {
      }
      %add3A_356 = arith.constant 4 : i32
      %add3A_357 = arith.addi %mul3A_168, %add3A_356 : i32
      %add3A_358 = arith.constant 7 : i32
      %add3A_359 = arith.addi %add3A_357, %add3A_358 : i32
      %lt3A_360 = arith.constant 50 : i32
      %lt3A_361 = arith.cmpi slt, %add3A_359, %lt3A_360 : i32
      %convert_element_type3A_362 = arith.extui %lt3A_361 : i1 to i32
      %cond3A_363 = arith.constant 0 : i32
      %cond3A_364 = arith.cmpi ne, %convert_element_type3A_362, %cond3A_363 : i32
      scf.if %cond3A_364 {
        %sub3A = arith.constant 7 : i32
        %sub3A_383 = arith.subi %add3A_359, %sub3A : i32
        %dma_wait3A_384 = arith.constant 0 : i32
        %dma_wait3A_385 = arith.constant 0 : i32
        %dma_wait3A_386 = tpu.memref_slice %arg4[%sub3A_383, %dma_wait3A_384, %dma_wait3A_385] : memref<50x4096x128xf32, #tpu.memory_space<hbm>> -> memref<1x4096x128xf32, #tpu.memory_space<hbm>>
        %dma_wait3A_387 = tpu.memref_squeeze %dma_wait3A_386 : memref<1x4096x128xf32, #tpu.memory_space<hbm>> -> memref<4096x128xf32, #tpu.memory_space<hbm>>
        %dma_wait3A_388 = arith.constant 0 : i32
        %dma_wait3A_389 = tpu.memref_slice %dma_wait3A_387[%mul3A_2, %dma_wait3A_388] : memref<4096x128xf32, #tpu.memory_space<hbm>> -> memref<128x128xf32, #tpu.memory_space<hbm>>
        %dma_wait3A_390 = arith.constant 0 : i32
        %dma_wait3A_391 = arith.constant 0 : i32
        %dma_wait3A_392 = tpu.memref_slice %arg4[%sub3A_383, %dma_wait3A_390, %dma_wait3A_391] : memref<50x4096x128xf32, #tpu.memory_space<hbm>> -> memref<1x4096x128xf32, #tpu.memory_space<hbm>>
        %dma_wait3A_393 = tpu.memref_squeeze %dma_wait3A_392 : memref<1x4096x128xf32, #tpu.memory_space<hbm>> -> memref<4096x128xf32, #tpu.memory_space<hbm>>
        %dma_wait3A_394 = arith.constant 0 : i32
        %dma_wait3A_395 = tpu.memref_slice %dma_wait3A_393[%mul3A_2, %dma_wait3A_394] : memref<4096x128xf32, #tpu.memory_space<hbm>> -> memref<128x128xf32, #tpu.memory_space<hbm>>
        tpu.wait_dma2 semaphore(%arg24 : memref<!tpu.dma_semaphore, #tpu.memory_space<semaphore_mem>>) src(%arg10 : memref<128x128xf32, #tpu.memory_space<vmem>>) dst(%dma_wait3A_395 : memref<128x128xf32, #tpu.memory_space<hbm>>)
        %dma_start3A_396 = arith.constant 0 : i32
        %dma_start3A_397 = tpu.memref_slice %arg5[%add3A_359, %dma_start3A_396] : memref<50x128xi32, #tpu.memory_space<vmem>> -> memref<1x128xi32, #tpu.memory_space<vmem>>
        %dma_start3A_398 = tpu.memref_squeeze %dma_start3A_397 : memref<1x128xi32, #tpu.memory_space<vmem>> -> memref<128xi32, #tpu.memory_space<vmem>>
        %dma_start3A_399 = arith.constant 0 : i32
        %dma_start3A_400 = arith.constant 0 : i32
        %dma_start3A_401 = tpu.memref_slice %arg3[%dma_start3A_399, %dma_start3A_400] : memref<100000x128xf32, #tpu.memory_space<hbm>> -> memref<100000x128xf32, #tpu.memory_space<hbm>>
        tpu.enqueue_indirect_dma source(%dma_start3A_401 : memref<100000x128xf32, #tpu.memory_space<hbm>>) target(%arg10 : memref<128x128xf32, #tpu.memory_space<vmem>>) offsets(%dma_start3A_398 : memref<128xi32, #tpu.memory_space<vmem>>) semaphore(%arg17 : memref<!tpu.dma_semaphore, #tpu.memory_space<semaphore_mem>>)
      } else {
      }
      %add3A_365 = arith.constant 5 : i32
      %add3A_366 = arith.addi %mul3A_168, %add3A_365 : i32
      %add3A_367 = arith.constant 7 : i32
      %add3A_368 = arith.addi %add3A_366, %add3A_367 : i32
      %lt3A_369 = arith.constant 50 : i32
      %lt3A_370 = arith.cmpi slt, %add3A_368, %lt3A_369 : i32
      %convert_element_type3A_371 = arith.extui %lt3A_370 : i1 to i32
      %cond3A_372 = arith.constant 0 : i32
      %cond3A_373 = arith.cmpi ne, %convert_element_type3A_371, %cond3A_372 : i32
      scf.if %cond3A_373 {
        %sub3A = arith.constant 7 : i32
        %sub3A_383 = arith.subi %add3A_368, %sub3A : i32
        %dma_wait3A_384 = arith.constant 0 : i32
        %dma_wait3A_385 = arith.constant 0 : i32
        %dma_wait3A_386 = tpu.memref_slice %arg4[%sub3A_383, %dma_wait3A_384, %dma_wait3A_385] : memref<50x4096x128xf32, #tpu.memory_space<hbm>> -> memref<1x4096x128xf32, #tpu.memory_space<hbm>>
        %dma_wait3A_387 = tpu.memref_squeeze %dma_wait3A_386 : memref<1x4096x128xf32, #tpu.memory_space<hbm>> -> memref<4096x128xf32, #tpu.memory_space<hbm>>
        %dma_wait3A_388 = arith.constant 0 : i32
        %dma_wait3A_389 = tpu.memref_slice %dma_wait3A_387[%mul3A_2, %dma_wait3A_388] : memref<4096x128xf32, #tpu.memory_space<hbm>> -> memref<128x128xf32, #tpu.memory_space<hbm>>
        %dma_wait3A_390 = arith.constant 0 : i32
        %dma_wait3A_391 = arith.constant 0 : i32
        %dma_wait3A_392 = tpu.memref_slice %arg4[%sub3A_383, %dma_wait3A_390, %dma_wait3A_391] : memref<50x4096x128xf32, #tpu.memory_space<hbm>> -> memref<1x4096x128xf32, #tpu.memory_space<hbm>>
        %dma_wait3A_393 = tpu.memref_squeeze %dma_wait3A_392 : memref<1x4096x128xf32, #tpu.memory_space<hbm>> -> memref<4096x128xf32, #tpu.memory_space<hbm>>
        %dma_wait3A_394 = arith.constant 0 : i32
        %dma_wait3A_395 = tpu.memref_slice %dma_wait3A_393[%mul3A_2, %dma_wait3A_394] : memref<4096x128xf32, #tpu.memory_space<hbm>> -> memref<128x128xf32, #tpu.memory_space<hbm>>
        tpu.wait_dma2 semaphore(%arg25 : memref<!tpu.dma_semaphore, #tpu.memory_space<semaphore_mem>>) src(%arg11 : memref<128x128xf32, #tpu.memory_space<vmem>>) dst(%dma_wait3A_395 : memref<128x128xf32, #tpu.memory_space<hbm>>)
        %dma_start3A_396 = arith.constant 0 : i32
        %dma_start3A_397 = tpu.memref_slice %arg5[%add3A_368, %dma_start3A_396] : memref<50x128xi32, #tpu.memory_space<vmem>> -> memref<1x128xi32, #tpu.memory_space<vmem>>
        %dma_start3A_398 = tpu.memref_squeeze %dma_start3A_397 : memref<1x128xi32, #tpu.memory_space<vmem>> -> memref<128xi32, #tpu.memory_space<vmem>>
        %dma_start3A_399 = arith.constant 0 : i32
        %dma_start3A_400 = arith.constant 0 : i32
        %dma_start3A_401 = tpu.memref_slice %arg3[%dma_start3A_399, %dma_start3A_400] : memref<100000x128xf32, #tpu.memory_space<hbm>> -> memref<100000x128xf32, #tpu.memory_space<hbm>>
        tpu.enqueue_indirect_dma source(%dma_start3A_401 : memref<100000x128xf32, #tpu.memory_space<hbm>>) target(%arg11 : memref<128x128xf32, #tpu.memory_space<vmem>>) offsets(%dma_start3A_398 : memref<128xi32, #tpu.memory_space<vmem>>) semaphore(%arg18 : memref<!tpu.dma_semaphore, #tpu.memory_space<semaphore_mem>>)
      } else {
      }
      %add3A_374 = arith.constant 6 : i32
      %add3A_375 = arith.addi %mul3A_168, %add3A_374 : i32
      %add3A_376 = arith.constant 7 : i32
      %add3A_377 = arith.addi %add3A_375, %add3A_376 : i32
      %lt3A_378 = arith.constant 50 : i32
      %lt3A_379 = arith.cmpi slt, %add3A_377, %lt3A_378 : i32
      %convert_element_type3A_380 = arith.extui %lt3A_379 : i1 to i32
      %cond3A_381 = arith.constant 0 : i32
      %cond3A_382 = arith.cmpi ne, %convert_element_type3A_380, %cond3A_381 : i32
      scf.if %cond3A_382 {
        %sub3A = arith.constant 7 : i32
        %sub3A_383 = arith.subi %add3A_377, %sub3A : i32
        %dma_wait3A_384 = arith.constant 0 : i32
        %dma_wait3A_385 = arith.constant 0 : i32
        %dma_wait3A_386 = tpu.memref_slice %arg4[%sub3A_383, %dma_wait3A_384, %dma_wait3A_385] : memref<50x4096x128xf32, #tpu.memory_space<hbm>> -> memref<1x4096x128xf32, #tpu.memory_space<hbm>>
        %dma_wait3A_387 = tpu.memref_squeeze %dma_wait3A_386 : memref<1x4096x128xf32, #tpu.memory_space<hbm>> -> memref<4096x128xf32, #tpu.memory_space<hbm>>
        %dma_wait3A_388 = arith.constant 0 : i32
        %dma_wait3A_389 = tpu.memref_slice %dma_wait3A_387[%mul3A_2, %dma_wait3A_388] : memref<4096x128xf32, #tpu.memory_space<hbm>> -> memref<128x128xf32, #tpu.memory_space<hbm>>
        %dma_wait3A_390 = arith.constant 0 : i32
        %dma_wait3A_391 = arith.constant 0 : i32
        %dma_wait3A_392 = tpu.memref_slice %arg4[%sub3A_383, %dma_wait3A_390, %dma_wait3A_391] : memref<50x4096x128xf32, #tpu.memory_space<hbm>> -> memref<1x4096x128xf32, #tpu.memory_space<hbm>>
        %dma_wait3A_393 = tpu.memref_squeeze %dma_wait3A_392 : memref<1x4096x128xf32, #tpu.memory_space<hbm>> -> memref<4096x128xf32, #tpu.memory_space<hbm>>
        %dma_wait3A_394 = arith.constant 0 : i32
        %dma_wait3A_395 = tpu.memref_slice %dma_wait3A_393[%mul3A_2, %dma_wait3A_394] : memref<4096x128xf32, #tpu.memory_space<hbm>> -> memref<128x128xf32, #tpu.memory_space<hbm>>
        tpu.wait_dma2 semaphore(%arg26 : memref<!tpu.dma_semaphore, #tpu.memory_space<semaphore_mem>>) src(%arg12 : memref<128x128xf32, #tpu.memory_space<vmem>>) dst(%dma_wait3A_395 : memref<128x128xf32, #tpu.memory_space<hbm>>)
        %dma_start3A_396 = arith.constant 0 : i32
        %dma_start3A_397 = tpu.memref_slice %arg5[%add3A_377, %dma_start3A_396] : memref<50x128xi32, #tpu.memory_space<vmem>> -> memref<1x128xi32, #tpu.memory_space<vmem>>
        %dma_start3A_398 = tpu.memref_squeeze %dma_start3A_397 : memref<1x128xi32, #tpu.memory_space<vmem>> -> memref<128xi32, #tpu.memory_space<vmem>>
        %dma_start3A_399 = arith.constant 0 : i32
        %dma_start3A_400 = arith.constant 0 : i32
        %dma_start3A_401 = tpu.memref_slice %arg3[%dma_start3A_399, %dma_start3A_400] : memref<100000x128xf32, #tpu.memory_space<hbm>> -> memref<100000x128xf32, #tpu.memory_space<hbm>>
        tpu.enqueue_indirect_dma source(%dma_start3A_401 : memref<100000x128xf32, #tpu.memory_space<hbm>>) target(%arg12 : memref<128x128xf32, #tpu.memory_space<vmem>>) offsets(%dma_start3A_398 : memref<128xi32, #tpu.memory_space<vmem>>) semaphore(%arg19 : memref<!tpu.dma_semaphore, #tpu.memory_space<semaphore_mem>>)
      } else {
      }
    }
    %scan3A_55 = arith.constant 7 : i32
    %dma_wait3A = arith.constant 49 : i32
    %dma_wait3A_56 = arith.constant 0 : i32
    %dma_wait3A_57 = tpu.memref_slice %arg5[%dma_wait3A, %dma_wait3A_56] : memref<50x128xi32, #tpu.memory_space<vmem>> -> memref<1x128xi32, #tpu.memory_space<vmem>>
    %dma_wait3A_58 = tpu.memref_squeeze %dma_wait3A_57 : memref<1x128xi32, #tpu.memory_space<vmem>> -> memref<128xi32, #tpu.memory_space<vmem>>
    %dma_wait3A_59 = arith.constant 0 : i32
    %dma_wait3A_60 = arith.constant 0 : i32
    %dma_wait3A_61 = tpu.memref_slice %arg3[%dma_wait3A_59, %dma_wait3A_60] : memref<100000x128xf32, #tpu.memory_space<hbm>> -> memref<100000x128xf32, #tpu.memory_space<hbm>>
    tpu.wait_indirect_dma semaphore(%arg13 : memref<!tpu.dma_semaphore, #tpu.memory_space<semaphore_mem>>) src(%dma_wait3A_61 : memref<100000x128xf32, #tpu.memory_space<hbm>>) dst(%arg6 : memref<128x128xf32, #tpu.memory_space<vmem>>)
    %dma_start3A_62 = arith.constant 49 : i32
    %dma_start3A_63 = arith.constant 0 : i32
    %dma_start3A_64 = arith.constant 0 : i32
    %dma_start3A_65 = tpu.memref_slice %arg4[%dma_start3A_62, %dma_start3A_63, %dma_start3A_64] : memref<50x4096x128xf32, #tpu.memory_space<hbm>> -> memref<1x4096x128xf32, #tpu.memory_space<hbm>>
    %dma_start3A_66 = tpu.memref_squeeze %dma_start3A_65 : memref<1x4096x128xf32, #tpu.memory_space<hbm>> -> memref<4096x128xf32, #tpu.memory_space<hbm>>
    %dma_start3A_67 = arith.constant 0 : i32
    %dma_start3A_68 = tpu.memref_slice %dma_start3A_66[%mul3A_2, %dma_start3A_67] : memref<4096x128xf32, #tpu.memory_space<hbm>> -> memref<128x128xf32, #tpu.memory_space<hbm>>
    %dma_start3A_69 = arith.constant 0 : i32
    %dma_start3A_70 = arith.constant 0 : i32
    %dma_start3A_71 = tpu.memref_slice %arg4[%dma_start3A_62, %dma_start3A_69, %dma_start3A_70] : memref<50x4096x128xf32, #tpu.memory_space<hbm>> -> memref<1x4096x128xf32, #tpu.memory_space<hbm>>
    %dma_start3A_72 = tpu.memref_squeeze %dma_start3A_71 : memref<1x4096x128xf32, #tpu.memory_space<hbm>> -> memref<4096x128xf32, #tpu.memory_space<hbm>>
    %dma_start3A_73 = arith.constant 0 : i32
    %dma_start3A_74 = tpu.memref_slice %dma_start3A_72[%mul3A_2, %dma_start3A_73] : memref<4096x128xf32, #tpu.memory_space<hbm>> -> memref<128x128xf32, #tpu.memory_space<hbm>>
    tpu.enqueue_dma source(%arg6 : memref<128x128xf32, #tpu.memory_space<vmem>>) target(%dma_start3A_74 : memref<128x128xf32, #tpu.memory_space<hbm>>) target_semaphore(%arg20 : memref<!tpu.dma_semaphore, #tpu.memory_space<semaphore_mem>>)
    %dma_wait3A_75 = arith.constant 43 : i32
    %dma_wait3A_76 = arith.constant 0 : i32
    %dma_wait3A_77 = arith.constant 0 : i32
    %dma_wait3A_78 = tpu.memref_slice %arg4[%dma_wait3A_75, %dma_wait3A_76, %dma_wait3A_77] : memref<50x4096x128xf32, #tpu.memory_space<hbm>> -> memref<1x4096x128xf32, #tpu.memory_space<hbm>>
    %dma_wait3A_79 = tpu.memref_squeeze %dma_wait3A_78 : memref<1x4096x128xf32, #tpu.memory_space<hbm>> -> memref<4096x128xf32, #tpu.memory_space<hbm>>
    %dma_wait3A_80 = arith.constant 0 : i32
    %dma_wait3A_81 = tpu.memref_slice %dma_wait3A_79[%mul3A_2, %dma_wait3A_80] : memref<4096x128xf32, #tpu.memory_space<hbm>> -> memref<128x128xf32, #tpu.memory_space<hbm>>
    %dma_wait3A_82 = arith.constant 0 : i32
    %dma_wait3A_83 = arith.constant 0 : i32
    %dma_wait3A_84 = tpu.memref_slice %arg4[%dma_wait3A_75, %dma_wait3A_82, %dma_wait3A_83] : memref<50x4096x128xf32, #tpu.memory_space<hbm>> -> memref<1x4096x128xf32, #tpu.memory_space<hbm>>
    %dma_wait3A_85 = tpu.memref_squeeze %dma_wait3A_84 : memref<1x4096x128xf32, #tpu.memory_space<hbm>> -> memref<4096x128xf32, #tpu.memory_space<hbm>>
    %dma_wait3A_86 = arith.constant 0 : i32
    %dma_wait3A_87 = tpu.memref_slice %dma_wait3A_85[%mul3A_2, %dma_wait3A_86] : memref<4096x128xf32, #tpu.memory_space<hbm>> -> memref<128x128xf32, #tpu.memory_space<hbm>>
    tpu.wait_dma2 semaphore(%arg21 : memref<!tpu.dma_semaphore, #tpu.memory_space<semaphore_mem>>) src(%arg7 : memref<128x128xf32, #tpu.memory_space<vmem>>) dst(%dma_wait3A_87 : memref<128x128xf32, #tpu.memory_space<hbm>>)
    %dma_wait3A_88 = arith.constant 44 : i32
    %dma_wait3A_89 = arith.constant 0 : i32
    %dma_wait3A_90 = arith.constant 0 : i32
    %dma_wait3A_91 = tpu.memref_slice %arg4[%dma_wait3A_88, %dma_wait3A_89, %dma_wait3A_90] : memref<50x4096x128xf32, #tpu.memory_space<hbm>> -> memref<1x4096x128xf32, #tpu.memory_space<hbm>>
    %dma_wait3A_92 = tpu.memref_squeeze %dma_wait3A_91 : memref<1x4096x128xf32, #tpu.memory_space<hbm>> -> memref<4096x128xf32, #tpu.memory_space<hbm>>
    %dma_wait3A_93 = arith.constant 0 : i32
    %dma_wait3A_94 = tpu.memref_slice %dma_wait3A_92[%mul3A_2, %dma_wait3A_93] : memref<4096x128xf32, #tpu.memory_space<hbm>> -> memref<128x128xf32, #tpu.memory_space<hbm>>
    %dma_wait3A_95 = arith.constant 0 : i32
    %dma_wait3A_96 = arith.constant 0 : i32
    %dma_wait3A_97 = tpu.memref_slice %arg4[%dma_wait3A_88, %dma_wait3A_95, %dma_wait3A_96] : memref<50x4096x128xf32, #tpu.memory_space<hbm>> -> memref<1x4096x128xf32, #tpu.memory_space<hbm>>
    %dma_wait3A_98 = tpu.memref_squeeze %dma_wait3A_97 : memref<1x4096x128xf32, #tpu.memory_space<hbm>> -> memref<4096x128xf32, #tpu.memory_space<hbm>>
    %dma_wait3A_99 = arith.constant 0 : i32
    %dma_wait3A_100 = tpu.memref_slice %dma_wait3A_98[%mul3A_2, %dma_wait3A_99] : memref<4096x128xf32, #tpu.memory_space<hbm>> -> memref<128x128xf32, #tpu.memory_space<hbm>>
    tpu.wait_dma2 semaphore(%arg22 : memref<!tpu.dma_semaphore, #tpu.memory_space<semaphore_mem>>) src(%arg8 : memref<128x128xf32, #tpu.memory_space<vmem>>) dst(%dma_wait3A_100 : memref<128x128xf32, #tpu.memory_space<hbm>>)
    %dma_wait3A_101 = arith.constant 45 : i32
    %dma_wait3A_102 = arith.constant 0 : i32
    %dma_wait3A_103 = arith.constant 0 : i32
    %dma_wait3A_104 = tpu.memref_slice %arg4[%dma_wait3A_101, %dma_wait3A_102, %dma_wait3A_103] : memref<50x4096x128xf32, #tpu.memory_space<hbm>> -> memref<1x4096x128xf32, #tpu.memory_space<hbm>>
    %dma_wait3A_105 = tpu.memref_squeeze %dma_wait3A_104 : memref<1x4096x128xf32, #tpu.memory_space<hbm>> -> memref<4096x128xf32, #tpu.memory_space<hbm>>
    %dma_wait3A_106 = arith.constant 0 : i32
    %dma_wait3A_107 = tpu.memref_slice %dma_wait3A_105[%mul3A_2, %dma_wait3A_106] : memref<4096x128xf32, #tpu.memory_space<hbm>> -> memref<128x128xf32, #tpu.memory_space<hbm>>
    %dma_wait3A_108 = arith.constant 0 : i32
    %dma_wait3A_109 = arith.constant 0 : i32
    %dma_wait3A_110 = tpu.memref_slice %arg4[%dma_wait3A_101, %dma_wait3A_108, %dma_wait3A_109] : memref<50x4096x128xf32, #tpu.memory_space<hbm>> -> memref<1x4096x128xf32, #tpu.memory_space<hbm>>
    %dma_wait3A_111 = tpu.memref_squeeze %dma_wait3A_110 : memref<1x4096x128xf32, #tpu.memory_space<hbm>> -> memref<4096x128xf32, #tpu.memory_space<hbm>>
    %dma_wait3A_112 = arith.constant 0 : i32
    %dma_wait3A_113 = tpu.memref_slice %dma_wait3A_111[%mul3A_2, %dma_wait3A_112] : memref<4096x128xf32, #tpu.memory_space<hbm>> -> memref<128x128xf32, #tpu.memory_space<hbm>>
    tpu.wait_dma2 semaphore(%arg23 : memref<!tpu.dma_semaphore, #tpu.memory_space<semaphore_mem>>) src(%arg9 : memref<128x128xf32, #tpu.memory_space<vmem>>) dst(%dma_wait3A_113 : memref<128x128xf32, #tpu.memory_space<hbm>>)
    %dma_wait3A_114 = arith.constant 46 : i32
    %dma_wait3A_115 = arith.constant 0 : i32
    %dma_wait3A_116 = arith.constant 0 : i32
    %dma_wait3A_117 = tpu.memref_slice %arg4[%dma_wait3A_114, %dma_wait3A_115, %dma_wait3A_116] : memref<50x4096x128xf32, #tpu.memory_space<hbm>> -> memref<1x4096x128xf32, #tpu.memory_space<hbm>>
    %dma_wait3A_118 = tpu.memref_squeeze %dma_wait3A_117 : memref<1x4096x128xf32, #tpu.memory_space<hbm>> -> memref<4096x128xf32, #tpu.memory_space<hbm>>
    %dma_wait3A_119 = arith.constant 0 : i32
    %dma_wait3A_120 = tpu.memref_slice %dma_wait3A_118[%mul3A_2, %dma_wait3A_119] : memref<4096x128xf32, #tpu.memory_space<hbm>> -> memref<128x128xf32, #tpu.memory_space<hbm>>
    %dma_wait3A_121 = arith.constant 0 : i32
    %dma_wait3A_122 = arith.constant 0 : i32
    %dma_wait3A_123 = tpu.memref_slice %arg4[%dma_wait3A_114, %dma_wait3A_121, %dma_wait3A_122] : memref<50x4096x128xf32, #tpu.memory_space<hbm>> -> memref<1x4096x128xf32, #tpu.memory_space<hbm>>
    %dma_wait3A_124 = tpu.memref_squeeze %dma_wait3A_123 : memref<1x4096x128xf32, #tpu.memory_space<hbm>> -> memref<4096x128xf32, #tpu.memory_space<hbm>>
    %dma_wait3A_125 = arith.constant 0 : i32
    %dma_wait3A_126 = tpu.memref_slice %dma_wait3A_124[%mul3A_2, %dma_wait3A_125] : memref<4096x128xf32, #tpu.memory_space<hbm>> -> memref<128x128xf32, #tpu.memory_space<hbm>>
    tpu.wait_dma2 semaphore(%arg24 : memref<!tpu.dma_semaphore, #tpu.memory_space<semaphore_mem>>) src(%arg10 : memref<128x128xf32, #tpu.memory_space<vmem>>) dst(%dma_wait3A_126 : memref<128x128xf32, #tpu.memory_space<hbm>>)
    %dma_wait3A_127 = arith.constant 47 : i32
    %dma_wait3A_128 = arith.constant 0 : i32
    %dma_wait3A_129 = arith.constant 0 : i32
    %dma_wait3A_130 = tpu.memref_slice %arg4[%dma_wait3A_127, %dma_wait3A_128, %dma_wait3A_129] : memref<50x4096x128xf32, #tpu.memory_space<hbm>> -> memref<1x4096x128xf32, #tpu.memory_space<hbm>>
    %dma_wait3A_131 = tpu.memref_squeeze %dma_wait3A_130 : memref<1x4096x128xf32, #tpu.memory_space<hbm>> -> memref<4096x128xf32, #tpu.memory_space<hbm>>
    %dma_wait3A_132 = arith.constant 0 : i32
    %dma_wait3A_133 = tpu.memref_slice %dma_wait3A_131[%mul3A_2, %dma_wait3A_132] : memref<4096x128xf32, #tpu.memory_space<hbm>> -> memref<128x128xf32, #tpu.memory_space<hbm>>
    %dma_wait3A_134 = arith.constant 0 : i32
    %dma_wait3A_135 = arith.constant 0 : i32
    %dma_wait3A_136 = tpu.memref_slice %arg4[%dma_wait3A_127, %dma_wait3A_134, %dma_wait3A_135] : memref<50x4096x128xf32, #tpu.memory_space<hbm>> -> memref<1x4096x128xf32, #tpu.memory_space<hbm>>
    %dma_wait3A_137 = tpu.memref_squeeze %dma_wait3A_136 : memref<1x4096x128xf32, #tpu.memory_space<hbm>> -> memref<4096x128xf32, #tpu.memory_space<hbm>>
    %dma_wait3A_138 = arith.constant 0 : i32
    %dma_wait3A_139 = tpu.memref_slice %dma_wait3A_137[%mul3A_2, %dma_wait3A_138] : memref<4096x128xf32, #tpu.memory_space<hbm>> -> memref<128x128xf32, #tpu.memory_space<hbm>>
    tpu.wait_dma2 semaphore(%arg25 : memref<!tpu.dma_semaphore, #tpu.memory_space<semaphore_mem>>) src(%arg11 : memref<128x128xf32, #tpu.memory_space<vmem>>) dst(%dma_wait3A_139 : memref<128x128xf32, #tpu.memory_space<hbm>>)
    %dma_wait3A_140 = arith.constant 48 : i32
    %dma_wait3A_141 = arith.constant 0 : i32
    %dma_wait3A_142 = arith.constant 0 : i32
    %dma_wait3A_143 = tpu.memref_slice %arg4[%dma_wait3A_140, %dma_wait3A_141, %dma_wait3A_142] : memref<50x4096x128xf32, #tpu.memory_space<hbm>> -> memref<1x4096x128xf32, #tpu.memory_space<hbm>>
    %dma_wait3A_144 = tpu.memref_squeeze %dma_wait3A_143 : memref<1x4096x128xf32, #tpu.memory_space<hbm>> -> memref<4096x128xf32, #tpu.memory_space<hbm>>
    %dma_wait3A_145 = arith.constant 0 : i32
    %dma_wait3A_146 = tpu.memref_slice %dma_wait3A_144[%mul3A_2, %dma_wait3A_145] : memref<4096x128xf32, #tpu.memory_space<hbm>> -> memref<128x128xf32, #tpu.memory_space<hbm>>
    %dma_wait3A_147 = arith.constant 0 : i32
    %dma_wait3A_148 = arith.constant 0 : i32
    %dma_wait3A_149 = tpu.memref_slice %arg4[%dma_wait3A_140, %dma_wait3A_147, %dma_wait3A_148] : memref<50x4096x128xf32, #tpu.memory_space<hbm>> -> memref<1x4096x128xf32, #tpu.memory_space<hbm>>
    %dma_wait3A_150 = tpu.memref_squeeze %dma_wait3A_149 : memref<1x4096x128xf32, #tpu.memory_space<hbm>> -> memref<4096x128xf32, #tpu.memory_space<hbm>>
    %dma_wait3A_151 = arith.constant 0 : i32
    %dma_wait3A_152 = tpu.memref_slice %dma_wait3A_150[%mul3A_2, %dma_wait3A_151] : memref<4096x128xf32, #tpu.memory_space<hbm>> -> memref<128x128xf32, #tpu.memory_space<hbm>>
    tpu.wait_dma2 semaphore(%arg26 : memref<!tpu.dma_semaphore, #tpu.memory_space<semaphore_mem>>) src(%arg12 : memref<128x128xf32, #tpu.memory_space<vmem>>) dst(%dma_wait3A_152 : memref<128x128xf32, #tpu.memory_space<hbm>>)
    %dma_wait3A_153 = arith.constant 49 : i32
    %dma_wait3A_154 = arith.constant 0 : i32
    %dma_wait3A_155 = arith.constant 0 : i32
    %dma_wait3A_156 = tpu.memref_slice %arg4[%dma_wait3A_153, %dma_wait3A_154, %dma_wait3A_155] : memref<50x4096x128xf32, #tpu.memory_space<hbm>> -> memref<1x4096x128xf32, #tpu.memory_space<hbm>>
    %dma_wait3A_157 = tpu.memref_squeeze %dma_wait3A_156 : memref<1x4096x128xf32, #tpu.memory_space<hbm>> -> memref<4096x128xf32, #tpu.memory_space<hbm>>
    %dma_wait3A_158 = arith.constant 0 : i32
    %dma_wait3A_159 = tpu.memref_slice %dma_wait3A_157[%mul3A_2, %dma_wait3A_158] : memref<4096x128xf32, #tpu.memory_space<hbm>> -> memref<128x128xf32, #tpu.memory_space<hbm>>
    %dma_wait3A_160 = arith.constant 0 : i32
    %dma_wait3A_161 = arith.constant 0 : i32
    %dma_wait3A_162 = tpu.memref_slice %arg4[%dma_wait3A_153, %dma_wait3A_160, %dma_wait3A_161] : memref<50x4096x128xf32, #tpu.memory_space<hbm>> -> memref<1x4096x128xf32, #tpu.memory_space<hbm>>
    %dma_wait3A_163 = tpu.memref_squeeze %dma_wait3A_162 : memref<1x4096x128xf32, #tpu.memory_space<hbm>> -> memref<4096x128xf32, #tpu.memory_space<hbm>>
    %dma_wait3A_164 = arith.constant 0 : i32
    %dma_wait3A_165 = tpu.memref_slice %dma_wait3A_163[%mul3A_2, %dma_wait3A_164] : memref<4096x128xf32, #tpu.memory_space<hbm>> -> memref<128x128xf32, #tpu.memory_space<hbm>>
    tpu.wait_dma2 semaphore(%arg20 : memref<!tpu.dma_semaphore, #tpu.memory_space<semaphore_mem>>) src(%arg6 : memref<128x128xf32, #tpu.memory_space<vmem>>) dst(%dma_wait3A_165 : memref<128x128xf32, #tpu.memory_space<hbm>>)
    return
  }
}

</mosaic_0001>

<sc_bundles>
// kernel: _gather.3.cloned.1.call-start
scs
__scs_entry_jumppad:
0x0: {  	(pc) =	sbr.rel $0x88, $3  }
0x1: {  	(tag) =	ssettag $0x0;
	lr =	simm.s32 $0x1  }
0x2: {  	[smem:$0x3F9F] =	sst lr;
	_ =	strace $0xD0000000  }
0x3: {  	_ = 	snop  }
0x4: {  	_ = 	snop  }
0x5: {  	_ = 	snop  }
0x6: {  	_ = 	snop  }
0x7: {  	_ = 	snop  }
__scs_overlays_trampoline_lowered:
0x8: {  	[smem:$0x3FAE] =	sst s0  }
0x9: {  	[smem:$0x3FAF] =	sst s1  }
0xa: {  	[smem:$0x3FB0] =	sst s2  }
0xb: {  	[smem:$0x3FB1] =	sst s3  }
0xc: {  	[smem:$0x3FB2] =	sst s4  }
0xd: {  	[smem:$0x3FB3] =	sst s5  }
0xe: {  	[smem:$0x3FB4] =	sst s6  }
0xf: {  	[smem:$0x3FB5] =	sst s7  }
0x10: {  	[smem:$0x3FB6] =	sst s8  }
0x11: {  	[smem:$0x3FB7] =	sst s9;
	s0 =	simm.s32 @!p0 $0x0  }
0x12: {  	s1 =	sld [smem:$0x3F9D];
	s0 =	simm.s32 @p0 $0x1  }
0x13: {  	[smem:$0x3FB8] =	sst s0;
	s0 =	simm.s32 @!p1 $0x0  }
0x14: {  	s2 =	sld [smem:$0x3F9C];
	s0 =	simm.s32 @p1 $0x1  }
0x15: {  	[smem:$0x3FB9] =	sst s0;
	s0 =	simm.s32 @!p2 $0x0  }
0x16: {  	s3 =	sld [smem:$0x3FDB];
	s0 =	simm.s32 @p2 $0x1  }
0x17: {  	s4 =	simm.s32 $0x1BF5;
	[smem:$0x3FBB] =	sst s0  }
0x18: {  	s0 =	sld [smem:$0x3F9E];
	_ =	swait.ge [sflag:s4], $0x0  }
0x19: {  	s7 =	sld [smem:$0x3F9F]  }
0x1a: {  	s8 =	sadd.s32 $0xFFFFE003, lr  }
0x1b: {  	s9 =	sadd.s32 $0xFFFFFEF7, lr;
	s5 =	simm.s32 $0xFFFFFFFF;
	p2 =	slt.u32 s8, $0xFFFFF086  }
0x1c: {  	p1 =	slt.u32 s9, $0xF7A;
	s5 =	simm.s32 @!p2 $0x0  }
0x1d: {  	s5 =	simm.s32 @p1 $0x1;
	p0 =	seq.s32 s7, s2  }
0x1e: {  	s7 =	smul.u32 @!p0 $0xF7A, s2;
	p2 =	seq.s32 @!p0 s5, $0x0  }
0x1f: {  	s9 =	smul.u32 $0xF7A, s1;
	s8 =	simm.s32 @!p0 $0x1BF5;
	p2 =	por !p2, p0  }
0x20: {  	[sflag:s8] =	ssyncset.s32 @!p0 $0xFFFFF086;
	s6 =	sadd.s32 @!p0 s3, s7;
	s7 =	simm.s32 @!p0 $0x108  }
0x21: {  	s3 =	sadd.s32 s3, s9;
	s6 =	sadd.s32 @!p0 $0x88, s6;
	s7 =	simm.s32 @p2 $0x1082  }
0x22: {  	[simem:s7], [sflag:s8] =	dma.local @!p0 [hbm:s6], $0xF7A  }
0x23: {  	s9 =	sor.u32 $0xD0000000, s2;
	s6 =	simm.s32 $0x108;
	_ =	swait.ge @!p0 [sflag:s8], $0x0  }
0x24: {  	s3 =	sadd.s32 $0x88, s3;
	s6 =	simm.s32 @!p1 $0x1082;
	[sflag:s4] =	ssyncset.s32 $0xFFFFF086  }
0x25: {  	[simem:s6], [sflag:s4] =	dma.local [hbm:s3], $0xF7A  }
0x26: {  	[smem:$0x3F9F] =	sst s1;
	(tag) =	ssettag s2;
	_ =	strace s9  }
0x27: {  	s1 =	sld [smem:$0x3FAF]  }
0x28: {  	s2 =	sld [smem:$0x3FB0]  }
0x29: {  	s4 =	sld [smem:$0x3FB2]  }
0x2a: {  	p0 =	seq.s32 s5, $0x0;
	s5 =	sld [smem:$0x3FB3]  }
0x2b: {  	s6 =	sld [smem:$0x3FB4]  }
0x2c: {  	s7 =	sld [smem:$0x3FB5]  }
0x2d: {  	s3 =	simm.s32 $0x108;
	s8 =	sld [smem:$0x3FB6]  }
0x2e: {  	s3 =	simm.s32 @!p0 $0x1082;
	s9 =	sld [smem:$0x3FB7]  }
0x2f: {  	lr =	sadd.s32 s0, s3;
	s0 =	sld [smem:$0x3FAE]  }
0x30: {  	s3 =	sld [smem:$0x3FB1]  }
0x31: {  	[smem:$0x3FBA] =	sst s10  }
0x32: {  	s10 =	sld [smem:$0x3FB8];
	_ =	sdelay $0x3  }
0x33: {  	p0 =	seq.s32 s10, $0x1;
	s10 =	sld [smem:$0x3FBA];
	_ =	sdelay $0x3  }
0x34: {  	[smem:$0x3FBA] =	sst s10  }
0x35: {  	s10 =	sld [smem:$0x3FB9];
	_ =	sdelay $0x3  }
0x36: {  	p1 =	seq.s32 s10, $0x1;
	s10 =	sld [smem:$0x3FBA];
	_ =	sdelay $0x3  }
0x37: {  	[smem:$0x3FBA] =	sst s10  }
0x38: {  	s10 =	sld [smem:$0x3FBB]  }
0x39: {  	_ = 	snop;
	(pc) =	sbr.ind lr, $3  }
0x3a: {  	_ = 	snop  }
0x3b: {  	_ = 	snop  }
0x3c: {  	p2 =	seq.s32 s10, $0x1;
	s10 =	sld [smem:$0x3FBA]  }
0x3d: {  	_ =	shalt  }
0x3e: {  	_ =	shalt  }
0x3f: {  	_ =	shalt  }
0x40: {  	_ =	shalt  }
0x41: {  	_ =	shalt  }
0x42: {  	_ =	shalt  }
0x43: {  	_ =	shalt  }
0x44: {  	_ =	shalt  }
0x45: {  	_ =	shalt  }
0x46: {  	_ =	shalt  }
0x47: {  	_ =	shalt  }
0x48: {  	_ =	shalt  }
0x49: {  	_ =	shalt  }
0x4a: {  	_ =	shalt  }
0x4b: {  	_ =	shalt  }
0x4c: {  	_ =	shalt  }
0x4d: {  	_ =	shalt  }
0x4e: {  	_ =	shalt  }
0x4f: {  	_ =	shalt  }
0x50: {  	_ =	shalt  }
0x51: {  	_ =	shalt  }
0x52: {  	_ =	shalt  }
0x53: {  	_ =	shalt  }
0x54: {  	_ =	shalt  }
0x55: {  	_ =	shalt  }
0x56: {  	_ =	shalt  }
0x57: {  	_ =	shalt  }
0x58: {  	_ =	shalt  }
0x59: {  	_ =	shalt  }
0x5a: {  	_ =	shalt  }
0x5b: {  	_ =	shalt  }
0x5c: {  	_ =	shalt  }
0x5d: {  	_ =	shalt  }
0x5e: {  	_ =	shalt  }
0x5f: {  	_ =	shalt  }
0x60: {  	_ =	shalt  }
0x61: {  	_ =	shalt  }
0x62: {  	_ =	shalt  }
0x63: {  	_ =	shalt  }
0x64: {  	_ =	shalt  }
0x65: {  	_ =	shalt  }
0x66: {  	_ =	shalt  }
0x67: {  	_ =	shalt  }
0x68: {  	_ =	shalt  }
0x69: {  	_ =	shalt  }
0x6a: {  	_ =	shalt  }
0x6b: {  	_ =	shalt  }
0x6c: {  	_ =	shalt  }
0x6d: {  	_ =	shalt  }
0x6e: {  	_ =	shalt  }
0x6f: {  	_ =	shalt  }
0x70: {  	_ =	shalt  }
0x71: {  	_ =	shalt  }
0x72: {  	_ =	shalt  }
0x73: {  	_ =	shalt  }
0x74: {  	_ =	shalt  }
0x75: {  	_ =	shalt  }
0x76: {  	_ =	shalt  }
0x77: {  	_ =	shalt  }
0x78: {  	_ =	shalt  }
0x79: {  	_ =	shalt  }
0x7a: {  	_ =	shalt  }
0x7b: {  	_ =	shalt  }
0x7c: {  	_ =	shalt  }
0x7d: {  	_ =	shalt  }
0x7e: {  	_ =	shalt  }
0x7f: {  	_ =	shalt  }
0x80: {  	_ =	shalt  }
0x81: {  	_ =	shalt  }
0x82: {  	_ =	shalt  }
0x83: {  	_ =	shalt  }
0x84: {  	_ =	shalt  }
0x85: {  	_ =	shalt  }
0x86: {  	_ =	shalt  }
0x87: {  	_ =	shalt  }
.Lfunc_end0:
.L_simem_size_0:
called_computation_lowered:
.L_overlay_start_0:
0x88: {  	s2 =	sld [smem:$0x3FD9]  }
0x89: {  	s3 =	sld [smem:$0x3FFE];
	_ =	sdelay $0x1  }
0x8a: {  	s1 =	srdreg.scid  }
0x8b: {  	s0 =	sand.u32 $0x1, s1  }
0x8c: {  	s18 =	sshll.u32 s0, $0xA;
	s2 =	sadd.s32 s3, s2  }
0x8d: {  	s2 =	sadd.s32 s2, s18  }
0x8e: {  	[smem:$0x3FC6] =	sst s2  }
0x8f: {  	_ = 	snop  }
0x90: {  	s2 =	sld [smem:$0x3FC9]  }
0x91: {  	s19 =	sld [smem:$0x3FC8]  }
0x92: {  	s4 =	sld [smem:$0x3FD0];
	(tm) =	ssettm $0x1  }
0x93: {  	s5 =	sld [smem:$0x3FFB];
	_ =	sdelay $0x3  }
0x94: {  	_ =	strace s5  }
0x95: {  	s5 =	sld [smem:$0x3FFC];
	_ =	sdelay $0x3  }
0x96: {  	_ =	strace s5  }
0x97: {  	s5 =	sld [smem:$0x3FFD];
	_ =	sdelay $0x3  }
0x98: {  	_ =	strace s5  }
0x99: {  	_ =	strace $0x8FFFFFFF  }
0x9a: {  	s20 =	sld [smem:$0x3FDB];
	_ =	sdelay $0x1  }
0x9b: {  	s6 =	simm.s32 $_scs_section_size  }
0x9c: {  	s7 =	simm.s32 $_size__tile_overlayer_lowered;
	s8 =	simm.s32 $_tile_overlayer_lowered  }
0x9d: {  	s23 =	simm.s32 $0x1BFF;
	s22 =	sshll.u32 s8, $0x1;
	s5 =	sadd.s32 s6, s20  }
0x9e: {  	s9 =	simm.s32 $0x0;
	s21 =	sshll.u32 s7, $0x1;
	s7 =	sadd.s32 s22, s5  }
0x9f: {  	[timem:s9], [sflag:s23] =	dma.local [hbm:s7], s21  }
0xa0: {  	_ =	swait.ge [sflag:s23], s21  }
0xa1: {  	s6 =	ssub.s32 $0x0, s21;
	[sflag:s23] =	ssyncset.done $0x0  }
0xa2: {  	[sflag:s23] =	ssyncadd.s32 s6;
	_ =	sdelay $0x1  }
0xa3: {  	s24 =	simm.s32 $0x1B8B  }
0xa4: {  	_ =	swait.ge [sflag:s24], $0x1  }
0xa5: {  	[sflag:s24] =	ssyncset.done $0x0  }
0xa6: {  	s25 =	simm.s32 $0x1B8E;
	[sflag:s24] =	ssyncadd.s32 $0xFFFFFFFF  }
0xa7: {  	s26 =	simm.s32 $execute0_lowered;
	[smem:$0x3FD2] =	sst s25  }
0xa8: {  	s6 =	sshll.u32 s26, $0x1;
	_ =	strace $0x80000046;
	[dreg:$0x1] =	wrdreg $0xFFFFFFFF  }
0xa9: {  	s28 =	simm.s32 $_size_execute0_lowered;
	s5 =	sadd.s32 s5, s6;
	[dreg:$0x0] =	wrdreg $0x0  }
0xaa: {  	s6 =	sshll.u32 s28, $0x1;
	[dreg:$0x2] =	wrdreg s5  }
0xab: {  	[dreg:$0x3] =	wrdreg s6  }
0xac: {  	[dreg:$0x4] =	wrdreg $0xC0  }
0xad: {  	_ =	task [dreg:s9], $0x5FFFF  }
0xae: {  	[dreg:$0x1] =	wrdreg $0xFFFFFFFF  }
0xaf: {  	[dreg:$0x0] =	wrdreg $0x60  }
0xb0: {  	[dreg:$0x2] =	wrdreg s2  }
0xb1: {  	[dreg:$0x3] =	wrdreg s19  }
0xb2: {  	[dreg:$0x4] =	wrdreg s4  }
0xb3: {  	[dreg:$0x5] =	wrdreg $0x9  }
0xb4: {  	_ =	task.clear_ibuf [dreg:s9], $0x6FFFF;
	_ =	strace $0x90000046  }
0xb5: {  	s29 =	simm.s32 $0x9;
	_ =	strace $0x80000048  }
0xb6: {  	_ =	swait.ge [sflag:s29], $0x1  }
0xb7: {  	[sflag:s29] =	ssyncadd.s32 $0xFFFFFFFF  }
0xb8: {  	_ =	strace $0x90000048  }
0xb9: {  	_ =	sfence  }
0xba: {  	s30 =	sld [smem:$0x0];
	_ =	sdelay $0x2  }
0xbb: {  	s31 =	sshll.u32 s1, $0xD;
	s1 =	sshrl.u32 s1, $0x2  }
0xbc: {  	s3 =	sand.u32 $0x4000, s31;
	s1 =	sadd.s32 s1, s30  }
0xbd: {  	s0 =	sor.u32 s3, s0;
	s1 =	sshll.u32 s1, $0x11  }
0xbe: {  	s0 =	sor.u32 s1, s0  }
0xbf: {  	s0 =	sadd.s32 $0x8F2B, s0  }
0xc0: {  	[sflag:s0] =	ssyncadd.remote.s32 $0x1  }
0xc1: {  	_ =	sfence.sel $0xFFFF  }
0xc2: {  	[dreg:$0x0] =	wrdreg $0xFFFFFFFF;
	(pc) =	sbr.abs _section_cstart, $3  }
0xc3: {  	[dreg:$0x1] =	wrdreg $0xFFFFFFFF  }
0xc4: {  	_ =	task.clear_ibuf [dreg:s9], $0x2FFFF;
	_ =	strace $0x9FFFFFFF  }
0xc5: {  	(tm) =	ssettm $0x7FFFFFFF  }
tec
execute0_lowered:
.L_overlay_start_1:
0x0: {  	(tag) =	ssettag $0x1  }
0x1: {  	s0 =	rddreg [dreg:$0x0]  }
0x2: {  	s2 =	rddreg [dreg:$0x1]  }
0x3: {  	s1 =	srdreg.scid;
	s3 =	rddreg [dreg:$0x2]  }
0x4: {  	s4 =	stileid.u32;
	s13 =	simm.s32 $0x80;
	s14 =	simm.s32 $0x1C00  }
0x5: {  	s15 =	simm.s32 $0x5C00;
	s17 =	simm.s32 $0x9C00;
	s19 =	simm.s32 $0xDC00  }
0x6: {  	s21 =	simm.s32 $0x11C00;
	s28 =	simm.s32 $0x1;
	s29 =	simm.s32 $0x2  }
0x7: {  	s30 =	simm.s32 $0x3;
	s31 =	simm.s32 $0x4;
	s9 =	simm.s32 $0x7  }
0x8: {  	s10 =	simm.s32 $0x8;
	s11 =	simm.s32 $0x9;
	s16 =	simm.s32 $0xA  }
0x9: {  	s18 =	simm.s32 $0xB;
	s20 =	simm.s32 $0xC;
	s1 =	sand.u32 $0x1, s1  }
0xa: {  	s5 =	sshll.u32 s4, $0x8;
	s4 =	simm.s32 $0x0;
	s25 =	sadd.s32 $0x310000, s3  }
0xb: {  	s6 =	sshll.u32 s1, $0x7;
	s1 =	ssub.s32 $0x2, s1;
	[smem:$0x7FF] =	sst s4  }
0xc: {  	s5 =	sor.u32 s6, s5;
	s22 =	sshrl.u32 s1, $0x1;
	_ =	strace $0x80000047  }
0xd: {  	s6 =	simm.s32 $0x0;
	s7 =	sadd.s32 s0, s5;
	s23 =	ssub.s32 s1, s22  }
.Ltmp0:
0xe: {  	s1 =	simm.s32 $0x6;
	s22 =	simm.s32 $0xD;
	(pc) =	sbr.rel .LBB2_1-.Ltmp0, $4  }
0xf: {  	[dreg:$0x4] =	wrdreg s7;
	s24 =	sadd.s32 $0x6000, s7;
	s7 =	sshll.u32 s5, $0x4  }
0x10: {  	s0 =	smax.u32 s23, $0x1;
	s23 =	simm.s32 $0x15C00;
	[dreg:$0x5] =	wrdreg s24  }
0x11: {  	[dreg:$0x6] =	wrdreg s0;
	s26 =	sadd.s32 s7, s25;
	s0 =	simm.s32 $0x5  }
0x12: {  	s24 =	simm.s32 $0xE;
	[dreg:$0x7] =	wrdreg s26;
	s26 =	simm.s32 $0x19C00  }
.LBB2_4:
0x13: {  	_ =	swait.ge [sflag:s28], $0x4000  }
0x14: {  	[sflag:s28] =	ssyncset.done $0x0  }
0x15: {  	s5 =	rddreg [dreg:$0x7];
	[sflag:s28] =	ssyncadd.s32 $0xFFFFC000  }
0x16: {  	[hbm4b:s5+s4] =	stream.linear.scatter [tilespmem:s14], [sflag:$0x8], $0x4000, $0x38;
	[tilespmem:$0x1DC00] =	vst v63  }
0x17: {  	_ =	swait.ge [sflag:s11], $0x4000  }
0x18: {  	[sflag:s11] =	ssyncset.done $0x0  }
0x19: {  	[sflag:s11] =	ssyncadd.s32 $0xFFFFC000  }
0x1a: {  	_ =	swait.ge [sflag:s16], $0x4000  }
0x1b: {  	[sflag:s16] =	ssyncset.done $0x0  }
0x1c: {  	[sflag:s16] =	ssyncadd.s32 $0xFFFFC000  }
0x1d: {  	_ =	swait.ge [sflag:s18], $0x4000  }
0x1e: {  	[sflag:s18] =	ssyncset.done $0x0  }
0x1f: {  	[sflag:s18] =	ssyncadd.s32 $0xFFFFC000  }
0x20: {  	_ =	swait.ge [sflag:s20], $0x4000  }
0x21: {  	[sflag:s20] =	ssyncset.done $0x0  }
0x22: {  	[sflag:s20] =	ssyncadd.s32 $0xFFFFC000  }
0x23: {  	_ =	swait.ge [sflag:s22], $0x4000  }
0x24: {  	[sflag:s22] =	ssyncset.done $0x0  }
0x25: {  	[sflag:s22] =	ssyncadd.s32 $0xFFFFC000  }
0x26: {  	_ =	swait.ge [sflag:s24], $0x4000  }
0x27: {  	[sflag:s24] =	ssyncset.done $0x0  }
0x28: {  	[sflag:s24] =	ssyncadd.s32 $0xFFFFC000  }
0x29: {  	_ =	swait.ge [sflag:s10], $0x4000  }
0x2a: {  	s6 =	sadd.s32 $0x1, s6;
	s25 =	rddreg [dreg:$0x6]  }
0x2b: {  	p0 =	sne.s32 s6, s25  }
.Ltmp1:
0x2c: {  	_ = 	snop;
	(pc) =	sbr.rel @!p0 .LBB2_5-.Ltmp1, $3  }
0x2d: {  	_ =	sdelay $0x1  }
0x2e: {  	[sflag:s10] =	ssyncset.done $0x0  }
0x2f: {  	[sflag:s10] =	ssyncadd.s32 $0xFFFFC000  }
.LBB2_1:
0x30: {  	s5 =	rddreg [dreg:$0x4];
	s8 =	simm.s32 $0x400;
	s12 =	simm.s32 $0x8000  }
0x31: {  	[tilespmem:s4], [sflag:$0xF] =	stream.strided.gather [hbm4b:s5+s8], $0x1800, s12, s8, $0x38;
	[tilespmem:$0x1DC00] =	vst v63  }
0x32: {  	s25 =	simm.s32 $0x1800;
	s12 =	rddreg [dreg:$0x5];
	s8 =	simm.s32 $0xF  }
0x33: {  	[tilespmem:s25], [sflag:$0xF] =	stream.linear.gather [hbm4b:s12+s4], $0x100, $0x38;
	[tilespmem:$0x1DC00] =	vst v63  }
0x34: {  	_ =	swait.ge [sflag:s8], $0x1900  }
0x35: {  	[sflag:s8] =	ssyncset.done $0x0  }
0x36: {  	[sflag:s8] =	ssyncadd.s32 $0xFFFFE700  }
0x37: {  	[tilespmem:s14], [sflag:$0x1] =	stream.indirect.gather [hbm4b:s2+s13], $0x80, s4, s13, $0xb8;
	[tilespmem:$0x1DC00] =	vst v63  }
0x38: {  	_ = 	snop  }
0x39: {  	[tilespmem:s15], [sflag:$0x2] =	stream.indirect.gather [hbm4b:s2+s13], $0x80, s13, s13, $0xb8;
	[tilespmem:$0x1DC00] =	vst v63  }
0x3a: {  	s12 =	simm.s32 $0x100  }
0x3b: {  	[tilespmem:s17], [sflag:$0x3] =	stream.indirect.gather [hbm4b:s2+s13], $0x80, s12, s13, $0xb8;
	[tilespmem:$0x1DC00] =	vst v63  }
0x3c: {  	s25 =	simm.s32 $0x180  }
0x3d: {  	[tilespmem:s19], [sflag:$0x4] =	stream.indirect.gather [hbm4b:s2+s13], $0x80, s25, s13, $0xb8;
	[tilespmem:$0x1DC00] =	vst v63  }
0x3e: {  	s8 =	simm.s32 $0x200  }
0x3f: {  	[tilespmem:s21], [sflag:$0x5] =	stream.indirect.gather [hbm4b:s2+s13], $0x80, s8, s13, $0xb8;
	[tilespmem:$0x1DC00] =	vst v63  }
0x40: {  	s12 =	simm.s32 $0x280  }
0x41: {  	[tilespmem:s23], [sflag:$0x6] =	stream.indirect.gather [hbm4b:s2+s13], $0x80, s12, s13, $0xb8;
	[tilespmem:$0x1DC00] =	vst v63  }
0x42: {  	s5 =	simm.s32 $0x680;
	s25 =	simm.s32 $0x300;
	s8 =	simm.s32 $0x0  }
0x43: {  	[tilespmem:s26], [sflag:$0x7] =	stream.indirect.gather [hbm4b:s2+s13], $0x80, s25, s13, $0xb8;
	[tilespmem:$0x1DC00] =	vst v63  }
.LBB2_2:
0x44: {  	_ =	swait.ge [sflag:s28], $0x4000  }
0x45: {  	s25 =	sadd.s32 s8, s3;
	[sflag:s28] =	ssyncset.done $0x0  }
0x46: {  	s25 =	sadd.s32 s7, s25;
	[sflag:s28] =	ssyncadd.s32 $0xFFFFC000  }
0x47: {  	[hbm4b:s25+s4] =	stream.linear.scatter [tilespmem:s14], [sflag:$0x8], $0x4000, $0x38;
	[tilespmem:$0x1DC00] =	vst v63  }
0x48: {  	_ =	swait.ge [sflag:s29], $0x4000  }
0x49: {  	[sflag:s29] =	ssyncset.done $0x0  }
0x4a: {  	s12 =	sadd.s32 $0x10000, s25;
	[sflag:s29] =	ssyncadd.s32 $0xFFFFC000  }
0x4b: {  	[hbm4b:s12+s4] =	stream.linear.scatter [tilespmem:s15], [sflag:$0x9], $0x4000, $0x38;
	[tilespmem:$0x1DC00] =	vst v63  }
0x4c: {  	_ =	swait.ge [sflag:s30], $0x4000  }
0x4d: {  	[sflag:s30] =	ssyncset.done $0x0  }
0x4e: {  	s12 =	sadd.s32 $0x20000, s25;
	[sflag:s30] =	ssyncadd.s32 $0xFFFFC000  }
0x4f: {  	[hbm4b:s12+s4] =	stream.linear.scatter [tilespmem:s17], [sflag:$0xA], $0x4000, $0x38;
	[tilespmem:$0x1DC00] =	vst v63  }
0x50: {  	_ =	swait.ge [sflag:s31], $0x4000  }
0x51: {  	[sflag:s31] =	ssyncset.done $0x0  }
0x52: {  	s12 =	sadd.s32 $0x30000, s25;
	[sflag:s31] =	ssyncadd.s32 $0xFFFFC000  }
0x53: {  	[hbm4b:s12+s4] =	stream.linear.scatter [tilespmem:s19], [sflag:$0xB], $0x4000, $0x38;
	[tilespmem:$0x1DC00] =	vst v63  }
0x54: {  	_ =	swait.ge [sflag:s0], $0x4000  }
0x55: {  	[sflag:s0] =	ssyncset.done $0x0  }
0x56: {  	s12 =	sadd.s32 $0x40000, s25;
	[sflag:s0] =	ssyncadd.s32 $0xFFFFC000  }
0x57: {  	[hbm4b:s12+s4] =	stream.linear.scatter [tilespmem:s21], [sflag:$0xC], $0x4000, $0x38;
	[tilespmem:$0x1DC00] =	vst v63  }
0x58: {  	_ =	swait.ge [sflag:s1], $0x4000  }
0x59: {  	[sflag:s1] =	ssyncset.done $0x0  }
0x5a: {  	s12 =	sadd.s32 $0x50000, s25;
	[sflag:s1] =	ssyncadd.s32 $0xFFFFC000  }
0x5b: {  	[hbm4b:s12+s4] =	stream.linear.scatter [tilespmem:s23], [sflag:$0xD], $0x4000, $0x38;
	[tilespmem:$0x1DC00] =	vst v63  }
0x5c: {  	_ =	swait.ge [sflag:s9], $0x4000  }
0x5d: {  	[sflag:s9] =	ssyncset.done $0x0  }
0x5e: {  	p0 =	seq.s32 s8, $0x2A0000;
	s25 =	sadd.s32 $0x60000, s25;
	[sflag:s9] =	ssyncadd.s32 $0xFFFFC000  }
0x5f: {  	[hbm4b:s25+s4] =	stream.linear.scatter [tilespmem:s26], [sflag:$0xE], $0x4000, $0x38;
	[tilespmem:$0x1DC00] =	vst v63  }
.Ltmp2:
0x60: {  	_ = 	snop;
	(pc) =	sbr.rel @p0 .LBB2_4-.Ltmp2, $4  }
0x61: {  	_ =	swait.ge [sflag:s10], $0x4000  }
0x62: {  	[sflag:s10] =	ssyncset.done $0x0  }
0x63: {  	s25 =	sadd.s32 $0xFFFFFD00, s5;
	[sflag:s10] =	ssyncadd.s32 $0xFFFFC000  }
0x64: {  	[tilespmem:s14], [sflag:$0x1] =	stream.indirect.gather [hbm4b:s2+s13], $0x80, s25, s13, $0xb8;
	[tilespmem:$0x1DC00] =	vst v63  }
0x65: {  	_ =	swait.ge [sflag:s11], $0x4000  }
0x66: {  	[sflag:s11] =	ssyncset.done $0x0  }
0x67: {  	s12 =	sadd.s32 $0xFFFFFD80, s5;
	[sflag:s11] =	ssyncadd.s32 $0xFFFFC000  }
0x68: {  	[tilespmem:s15], [sflag:$0x2] =	stream.indirect.gather [hbm4b:s2+s13], $0x80, s12, s13, $0xb8;
	[tilespmem:$0x1DC00] =	vst v63  }
0x69: {  	_ =	swait.ge [sflag:s16], $0x4000  }
0x6a: {  	[sflag:s16] =	ssyncset.done $0x0  }
0x6b: {  	s25 =	sadd.s32 $0xFFFFFE00, s5;
	[sflag:s16] =	ssyncadd.s32 $0xFFFFC000  }
0x6c: {  	[tilespmem:s17], [sflag:$0x3] =	stream.indirect.gather [hbm4b:s2+s13], $0x80, s25, s13, $0xb8;
	[tilespmem:$0x1DC00] =	vst v63  }
0x6d: {  	_ =	swait.ge [sflag:s18], $0x4000  }
0x6e: {  	[sflag:s18] =	ssyncset.done $0x0  }
0x6f: {  	s25 =	sadd.s32 $0xFFFFFE80, s5;
	[sflag:s18] =	ssyncadd.s32 $0xFFFFC000  }
0x70: {  	[tilespmem:s19], [sflag:$0x4] =	stream.indirect.gather [hbm4b:s2+s13], $0x80, s25, s13, $0xb8;
	[tilespmem:$0x1DC00] =	vst v63  }
0x71: {  	_ =	swait.ge [sflag:s20], $0x4000  }
0x72: {  	[sflag:s20] =	ssyncset.done $0x0  }
0x73: {  	s25 =	sadd.s32 $0xFFFFFF00, s5;
	[sflag:s20] =	ssyncadd.s32 $0xFFFFC000  }
0x74: {  	[tilespmem:s21], [sflag:$0x5] =	stream.indirect.gather [hbm4b:s2+s13], $0x80, s25, s13, $0xb8;
	[tilespmem:$0x1DC00] =	vst v63  }
0x75: {  	_ =	swait.ge [sflag:s22], $0x4000  }
0x76: {  	[sflag:s22] =	ssyncset.done $0x0  }
0x77: {  	s25 =	sadd.s32 $0xFFFFFF80, s5;
	[sflag:s22] =	ssyncadd.s32 $0xFFFFC000  }
0x78: {  	[tilespmem:s23], [sflag:$0x6] =	stream.indirect.gather [hbm4b:s2+s13], $0x80, s25, s13, $0xb8;
	[tilespmem:$0x1DC00] =	vst v63  }
.Ltmp3:
0x79: {  	_ =	swait.ge [sflag:s24], $0x4000;
	(pc) =	sbr.rel .LBB2_2-.Ltmp3, $4  }
0x7a: {  	[sflag:s24] =	ssyncset.done $0x0  }
0x7b: {  	[sflag:s24] =	ssyncadd.s32 $0xFFFFC000  }
0x7c: {  	[tilespmem:s26], [sflag:$0x7] =	stream.indirect.gather [hbm4b:s2+s13], $0x80, s5, s13, $0xb8;
	[tilespmem:$0x1DC00] =	vst v63  }
0x7d: {  	s8 =	sadd.s32 $0x70000, s8;
	s5 =	sadd.s32 $0x380, s5  }
.LBB2_5:
0x7e: {  	_ =	sfence.sel $0x180000  }
0x7f: {  	[bflag:$0x0] =	sbarrier.arrive $0xFFFF  }
0x80: {  	_ =	strace $0x90000047  }
0x81: {  	s0 =	stileid.u32;
	[bflag:$0x2] =	sbarrier.arrive $0xFFFF  }
0x82: {  	p0 =	sne.s32 s0, $0x0;
	s0 =	rddreg [dreg:$0x3]  }
0x83: {  	s0 =	sadd.s32 @!p0 $0x100000, s0  }
0x84: {  	[sflag:s0] =	ssyncadd.tile.s32 @!p0 $0x1;
	_ =	shalt  }
.Lfunc_end2:
_tile_overlayer_lowered:
.L_overlay_start_2:
0x85: {  	(tag) =	ssettag $0x2  }
0x86: {  	s0 =	rddreg [dreg:$0x0];
	s2 =	stileid.u32  }
0x87: {  	s1 =	rddreg [dreg:$0x1];
	p0 =	sne.s32 s2, $0x0  }
0x88: {  	s3 =	rddreg [dreg:$0x2];
	[bflag:$0x3] =	sbarrier.arrive $0xFFFF;
	s2 =	simm.s32 @!p0 $0x1C0F  }
0x89: {  	[timem:s3], [sflag:s2] =	dma.local @!p0 [hbm:s0], s1  }
0x8a: {  	s0 =	simm.s32 @!p0 $0xF  }
0x8b: {  	_ =	swait.ge @!p0 [sflag:s0], s1  }
0x8c: {  	s1 =	ssub.s32 @!p0 $0x0, s1;
	[sflag:s0] =	ssyncset.done @!p0 $0x0  }
0x8d: {  	[sflag:s0] =	ssyncadd.s32 @!p0 s1  }
0x8e: {  	[bflag:$0x3] =	sbarrier.arrive $0xFFFF  }
0x8f: {  	_ =	shalt  }

</sc_bundles>
